<compile_context>
chip_gen: v7x
topology: tpu7x:2x2x1
jax: 0.10.2.dev20260603
libtpu: 0.0.44.dev20260713+nightly
codegen_flags: <defaults>
</compile_context>

<pallas_src>
import dataclasses
import functools

import jax
import jax.numpy as jnp
from jax import lax
from jax.experimental import pallas as pl
from jax.experimental.pallas import tpu as pltpu
from jax.experimental.pallas import tpu_sc as plsc

N = 10000
E = 320000
D = 128

NC = 2
NS = 16
CHUNK = 80
EDGES_PER_TILE = E // NS
NCHUNK = EDGES_PER_TILE // CHUNK
SEC = 50
NSEC = NCHUNK // SEC
NPAD = 10240
ACC_ROWS_PER_TILE = NPAD // NS
WB = CHUNK

_mesh = plsc.VectorSubcoreMesh(core_axis_name="c", subcore_axis_name="s")

_sc_params = pltpu.CompilerParams()
if "needs_layout_passes" in pltpu.CompilerParams.__dataclass_fields__:
    _sc_params = dataclasses.replace(_sc_params, needs_layout_passes=False)


def _dotT(a, b):
    return jax.lax.dot_general(
        a, b, (((1,), (1,)), ((), ())),
        precision=jax.lax.Precision.HIGHEST,
        preferred_element_type=jnp.float32)


@functools.partial(
    pl.kernel,
    mesh=_mesh,
    out_type=jax.ShapeDtypeStruct((2, NPAD, D), jnp.float32),
    scratch_types=[
        pltpu.VMEM((SEC, CHUNK), jnp.int32),
        pltpu.VMEM((SEC, CHUNK), jnp.int32),
        pltpu.VMEM((SEC, CHUNK), jnp.int32),
        pltpu.VMEM((SEC, CHUNK), jnp.int32),
        pltpu.VMEM((CHUNK, D), jnp.float32),
        pltpu.VMEM((CHUNK, D), jnp.float32),
        pltpu.VMEM_SHARED((NPAD, D), jnp.float32),
        pltpu.SemaphoreType.DMA,
        pltpu.SemaphoreType.DMA,
        pltpu.SemaphoreType.DMA,
    ])
def _segsum(xt_hbm, edge_hbm, s_hbm, gidx0, sidx0, gidx1, sidx1, rows0, rows1,
            acc, sem0, sem1, isem):
    c = lax.axis_index("c")
    s = lax.axis_index("s")
    base = s * ACC_ROWS_PER_TILE

    def _sec_start(k, gb, sb):
        pltpu.make_async_copy(edge_hbm.at[c, s, k], gb, isem).start()
        pltpu.make_async_copy(edge_hbm.at[1 - c, s, k], sb, isem).start()

    def _sec_wait(gb, sb):
        pltpu.make_async_copy(edge_hbm.at[c, s, 0], gb, isem).wait()
        pltpu.make_async_copy(edge_hbm.at[c, s, 0], sb, isem).wait()

    @pl.loop(0, WB)
    def _(r):
        @pl.loop(0, D, step=16)
        def _(j):
            rows0[r, pl.ds(j, 16)] = jnp.zeros((16,), jnp.float32)

    _sec_start(0, gidx0, sidx0)
    for k in range(ACC_ROWS_PER_TILE // WB):
        pltpu.async_copy(rows0, acc.at[pl.ds(base + k * WB, WB)], sem0)
    for k in range(ACC_ROWS_PER_TILE // WB):
        pltpu.make_async_copy(rows0, acc.at[pl.ds(base, WB)], sem0).wait()

    plsc.subcore_barrier()
    _sec_wait(gidx0, sidx0)

    def _process(gidx, sidx):
        def _g_start(i, buf, sem):
            pltpu.make_async_copy(xt_hbm.at[gidx.at[i]], buf, sem).start()

        def _g_wait(buf, sem):
            pltpu.make_async_copy(xt_hbm.at[gidx.at[0]], buf, sem).wait()

        _g_start(0, rows0, sem0)

        @pl.loop(0, SEC // 2 - 1)
        def _(i2):
            a = 2 * i2
            _g_start(a + 1, rows1, sem1)
            _g_wait(rows0, sem0)
            pltpu.sync_copy(rows0, acc.at[sidx.at[a]], add=True)
            _g_start(a + 2, rows0, sem0)
            _g_wait(rows1, sem1)
            pltpu.sync_copy(rows1, acc.at[sidx.at[a + 1]], add=True)

        _g_start(SEC - 1, rows1, sem1)
        _g_wait(rows0, sem0)
        pltpu.sync_copy(rows0, acc.at[sidx.at[SEC - 2]], add=True)
        _g_wait(rows1, sem1)
        pltpu.sync_copy(rows1, acc.at[sidx.at[SEC - 1]], add=True)

    @pl.loop(0, (NSEC - 1) // 2)
    def _(k2):
        a = 2 * k2
        _sec_start(a + 1, gidx1, sidx1)
        _process(gidx0, sidx0)
        _sec_wait(gidx1, sidx1)
        _sec_start(a + 2, gidx0, sidx0)
        _process(gidx1, sidx1)
        _sec_wait(gidx0, sidx0)

    _process(gidx0, sidx0)

    plsc.subcore_barrier()

    pltpu.sync_copy(acc.at[pl.ds(base, ACC_ROWS_PER_TILE)],
                    s_hbm.at[c, pl.ds(base, ACC_ROWS_PER_TILE)])


RED = ACC_ROWS_PER_TILE // 16


@functools.partial(
    pl.kernel,
    mesh=_mesh,
    out_type=jax.ShapeDtypeStruct((2, NS, ACC_ROWS_PER_TILE // 128, 128),
                                  jnp.float32),
    compiler_params=_sc_params,
    scratch_types=[
        pltpu.VMEM((SEC, CHUNK), jnp.int32),
        pltpu.VMEM((NPAD,), jnp.float32),
        pltpu.VMEM((NS, ACC_ROWS_PER_TILE), jnp.float32),
        pltpu.VMEM((ACC_ROWS_PER_TILE // 128, 128), jnp.float32),
        pltpu.VMEM_SHARED((NS, NPAD), jnp.float32),
    ])
def _counts(edge_hbm, c_hbm, sidx, hist, pbuf, obuf, part):
    c = lax.axis_index("c")
    s = lax.axis_index("s")

    @pl.loop(0, NPAD, step=16)
    def _(r):
        hist[pl.ds(r, 16)] = jnp.zeros((16,), jnp.float32)

    one = jnp.full((16,), 1.0, jnp.float32)

    @pl.loop(0, NSEC)
    def _(k):
        pltpu.sync_copy(edge_hbm.at[1 - c, s, k], sidx)

        @pl.loop(0, SEC)
        def _(i):
            @pl.loop(0, CHUNK, step=16)
            def _(j):
                plsc.addupdate_scatter(hist, [sidx[i, pl.ds(j, 16)]], one)

    pltpu.sync_copy(hist, part.at[s])
    plsc.subcore_barrier()

    base = s * ACC_ROWS_PER_TILE

    @pl.loop(0, NS)
    def _(t):
        pltpu.sync_copy(part.at[t, pl.ds(base, ACC_ROWS_PER_TILE)], pbuf.at[t])

    @pl.loop(0, RED)
    def _(m):
        def body(t, acc):
            return acc + pbuf[t, pl.ds(m * 16, 16)]

        accv = lax.fori_loop(1, NS, body, pbuf[0, pl.ds(m * 16, 16)])
        obuf[m // 8, pl.ds((m % 8) * 16, 16)] = accv

    pltpu.sync_copy(obuf, c_hbm.at[c, s])


BN = 2000


def _tc0_body(x_ref, w1_ref, wr_ref, br_ref, wf0_ref, bf_ref,
              xt_ref, yr_ref, p_ref):
    xb = x_ref[...]
    xt_ref[...] = _dotT(xb, w1_ref[...])
    yr_ref[...] = _dotT(xb, wr_ref[...]) + br_ref[...]
    p_ref[...] = _dotT(xb, wf0_ref[...]) + bf_ref[...]


def _tc0(x, w1, wr, br, wf0, bf):
    return pl.pallas_call(
        _tc0_body,
        grid=(N // BN,),
        in_specs=[
            pl.BlockSpec((BN, D), lambda i: (i, 0)),
            pl.BlockSpec((D, D), lambda i: (0, 0)),
            pl.BlockSpec((D, D), lambda i: (0, 0)),
            pl.BlockSpec((1, D), lambda i: (0, 0)),
            pl.BlockSpec((D, D), lambda i: (0, 0)),
            pl.BlockSpec((1, D), lambda i: (0, 0)),
        ],
        out_specs=[pl.BlockSpec((BN, D), lambda i: (i, 0))] * 3,
        out_shape=[jax.ShapeDtypeStruct((N, D), jnp.float32)] * 3,
    )(x, w1, wr, br, wf0, bf)


def _tcstep_body(yr_ref, s1_ref, s2_ref, c1_ref, c2_ref, p_ref, g_ref, b_ref,
                 wfh_ref, w1_ref, wr_ref, br_ref, xt_ref, yrn_ref, pn_ref):
    r1 = 1.0 / jnp.maximum(c1_ref[...], 1.0)
    r2 = 1.0 / jnp.maximum(c2_ref[...], 1.0)
    t = yr_ref[...] + s1_ref[...] * r1 + s2_ref[...] * r2
    t = jnp.maximum(t, 0.0)
    mu = jnp.mean(t, axis=1, keepdims=True)
    var = jnp.mean((t - mu) * (t - mu), axis=1, keepdims=True)
    h = (t - mu) * jax.lax.rsqrt(var + 1e-5) * g_ref[...] + b_ref[...]
    xt_ref[...] = _dotT(h, w1_ref[...])
    yrn_ref[...] = _dotT(h, wr_ref[...]) + br_ref[...]
    pn_ref[...] = p_ref[...] + _dotT(h, wfh_ref[...])


def _tcstep(yr, s1, s2, c1, c2, p, g, b, wfh, w1n, wrn, brn):
    return pl.pallas_call(
        _tcstep_body,
        grid=(N // BN,),
        in_specs=[
            pl.BlockSpec((BN, D), lambda i: (i, 0)),
            pl.BlockSpec((BN, D), lambda i: (i, 0)),
            pl.BlockSpec((BN, D), lambda i: (i, 0)),
            pl.BlockSpec((BN, 1), lambda i: (i, 0)),
            pl.BlockSpec((BN, 1), lambda i: (i, 0)),
            pl.BlockSpec((BN, D), lambda i: (i, 0)),
            pl.BlockSpec((1, D), lambda i: (0, 0)),
            pl.BlockSpec((1, D), lambda i: (0, 0)),
            pl.BlockSpec((D, D), lambda i: (0, 0)),
            pl.BlockSpec((D, D), lambda i: (0, 0)),
            pl.BlockSpec((D, D), lambda i: (0, 0)),
            pl.BlockSpec((1, D), lambda i: (0, 0)),
        ],
        out_specs=[pl.BlockSpec((BN, D), lambda i: (i, 0))] * 3,
        out_shape=[jax.ShapeDtypeStruct((N, D), jnp.float32)] * 3,
    )(yr, s1, s2, c1, c2, p, g, b, wfh, w1n, wrn, brn)


def kernel(x, edge_index, W1_0, Wr_0, br_0, g_0, b_0, W1_1, Wr_1, br_1, g_1,
           b_1, W1_2, Wr_2, br_2, g_2, b_2, Wf, bf):
    edge_r = edge_index.reshape(2, NS, NSEC, SEC, CHUNK)
    cnt = _counts(edge_r).reshape(2, NPAD)
    c1 = cnt[0, :N].reshape(N, 1)
    c2 = cnt[1, :N].reshape(N, 1)

    xt0, yr0, p0 = _tc0(x, W1_0, Wr_0, br_0.reshape(1, D), Wf[:, :D],
                        bf.reshape(1, D))

    gs = jnp.stack([g_0, g_1, g_2]).reshape(3, 1, D)
    bs = jnp.stack([b_0, b_1, b_2]).reshape(3, 1, D)
    wfh = jnp.stack([Wf[:, D:2 * D], Wf[:, 2 * D:3 * D], Wf[:, 3 * D:4 * D]])
    w1n = jnp.stack([W1_1, W1_2, W1_0])
    wrn = jnp.stack([Wr_1, Wr_2, Wr_0])
    brn = jnp.stack([br_1, br_2, br_0]).reshape(3, 1, D)

    def step(carry, pv):
        xt, yr, p = carry
        g, b, wfh_i, w1_i, wr_i, br_i = pv
        S = _segsum(xt, edge_r)
        xt2, yr2, p2 = _tcstep(yr, S[0, :N], S[1, :N], c1, c2, p, g, b,
                               wfh_i, w1_i, wr_i, br_i)
        return (xt2, yr2, p2), None

    (_, _, p3), _ = jax.lax.scan(step, (xt0, yr0, p0),
                                 (gs, bs, wfh, w1n, wrn, brn))
    return p3

# --- scband reference (transcript-rebuilt; emitter-appended) ---
"""Pipeline reference for scband-deep-cut-module-67413806678366 (READ-ONLY COPY).

The authoritative reference and input builder live on the scoring server;
editing this copy changes nothing except your own understanding.
"""

import jax, jax.numpy as jnp
import numpy as np

N = 10000
E = 320000
D = 128
H = 128
L = 3

def _scatter_mean(msgs, idx, n):
    s = jax.ops.segment_sum(msgs, idx, num_segments=n)
    c = jax.ops.segment_sum(jnp.ones((msgs.shape[0],), dtype=msgs.dtype), idx, num_segments=n)
    return s / jnp.clip(c, 1.0)[:, None]

def _relconv(x, src, dst, W1, Wr, br):
    xt = x @ W1.T
    m1 = _scatter_mean(xt[src], dst, x.shape[0])
    m2 = _scatter_mean(xt[dst], src, x.shape[0])
    return x @ Wr.T + br + m1 + m2

def _layernorm(x, g, b):
    mu = jnp.mean(x, axis=-1, keepdims=True)
    var = jnp.var(x, axis=-1, keepdims=True)
    return (x - mu) / jnp.sqrt(var + 1e-5) * g + b

def setup_inputs(seed: int = 0):
    key = jax.random.key(seed)
    ks = jax.random.split(key, 32)
    inp = {}
    inp['x'] = jax.random.normal(ks[0], (N, D), dtype=jnp.float32)
    inp['edge_index'] = jax.random.randint(ks[1], (2, E), 0, N, dtype=jnp.int32)
    j = 2
    for i in range(L):
        ind = D if i == 0 else H
        inp['W1_%d' % i] = jax.random.normal(ks[j], (H, ind), dtype=jnp.float32) * (1.0 / np.sqrt(ind)); j += 1
        inp['Wr_%d' % i] = jax.random.normal(ks[j], (H, ind), dtype=jnp.float32) * (1.0 / np.sqrt(ind)); j += 1
        inp['br_%d' % i] = jnp.zeros((H,), dtype=jnp.float32)
        inp['g_%d' % i] = jnp.ones((H,), dtype=jnp.float32)
        inp['b_%d' % i] = jnp.zeros((H,), dtype=jnp.float32)
    Fdim = D + L * H
    inp['Wf'] = jax.random.normal(ks[j], (H, Fdim), dtype=jnp.float32) * 0.01
    inp['bf'] = jnp.zeros((H,), dtype=jnp.float32)
    return inp

def reference(x, edge_index, W1_0, Wr_0, br_0, g_0, b_0, W1_1, Wr_1, br_1, g_1, b_1, W1_2, Wr_2, br_2, g_2, b_2, Wf, bf):
    src = edge_index[0]
    dst = edge_index[1]
    params = [(W1_0, Wr_0, br_0, g_0, b_0), (W1_1, Wr_1, br_1, g_1, b_1), (W1_2, Wr_2, br_2, g_2, b_2)]
    xs = [x]
    for (W1, Wr, br, g, b) in params:
        h = _relconv(xs[-1], src, dst, W1, Wr, br)
        h = jax.nn.relu(h)
        h = _layernorm(h, g, b)
        xs.append(h)
    xcat = jnp.concatenate(xs, axis=-1)
    return xcat @ Wf.T + bf

if __name__ == "__main__":
    import jax
    _d = setup_inputs()
    print(jax.jit(kernel)(*tuple(_d.values())))

</pallas_src>

<mosaic_0001>
#map = affine_map<(d0, d1) -> (0, 0)>
#map1 = affine_map<(d0, d1) -> (0, 0, 0, 0, 0)>
#map2 = affine_map<(d0, d1) -> (0, 0, 0)>
module attributes {stable_mosaic.version = 14 : i64} {
  func.func @_segsum(%arg0: i32, %arg1: i32, %arg2: memref<10000x128xf32, #tpu.memory_space<hbm>>, %arg3: memref<2x16x5x50x80xi32, #tpu.memory_space<hbm>>, %arg4: memref<2x10240x128xf32, #tpu.memory_space<hbm>>, %arg5: memref<50x80xi32, #tpu.memory_space<vmem>>, %arg6: memref<50x80xi32, #tpu.memory_space<vmem>>, %arg7: memref<50x80xi32, #tpu.memory_space<vmem>>, %arg8: memref<50x80xi32, #tpu.memory_space<vmem>>, %arg9: memref<80x128xf32, #tpu.memory_space<vmem>>, %arg10: memref<80x128xf32, #tpu.memory_space<vmem>>, %arg11: memref<10240x128xf32, #tpu.memory_space<vmem_shared>>, %arg12: memref<!tpu.dma_semaphore, #tpu.memory_space<semaphore_mem>>, %arg13: memref<!tpu.dma_semaphore, #tpu.memory_space<semaphore_mem>>, %arg14: memref<!tpu.dma_semaphore, #tpu.memory_space<semaphore_mem>>) attributes {dimension_semantics = [#tpu.dimension_semantics<core_parallel>, #tpu.dimension_semantics<subcore_parallel>], iteration_bounds = array<i64: 2, 16>, scalar_prefetch = 0 : i64, scratch_operands = 10 : i64, tpu.core_type = #tpu.core_type<sc_vector_subcore>, window_params = [{transform_indices = #map}, {transform_indices = #map1}, {transform_indices = #map2}]} {
    %mul3A = arith.constant 640 : i32
    %mul3A_0 = arith.muli %arg1, %mul3A : i32
    %scan3A = arith.constant 0 : i32
    %scan3A_1 = arith.constant 80 : i32
    %scan3A_2 = arith.addi %scan3A, %scan3A_1 : i32
    %scan3A_3 = arith.constant 1 : i32
    scf.for %scan3A_159 = %scan3A to %scan3A_2 step %scan3A_3  : i32 {
      %mul3A_160 = arith.constant 1 : i32
      %mul3A_161 = arith.muli %scan3A_159, %mul3A_160 : i32
      %add3A_162 = arith.constant 0 : i32
      %add3A_163 = arith.addi %add3A_162, %mul3A_161 : i32
      %scan3A_164 = arith.constant 0 : i32
      %scan3A_165 = arith.constant 8 : i32
      %scan3A_166 = arith.addi %scan3A_164, %scan3A_165 : i32
      %scan3A_167 = arith.constant 1 : i32
      scf.for %scan3A_169 = %scan3A_164 to %scan3A_166 step %scan3A_167  : i32 {
        %mul3A_170 = arith.constant 16 : i32
        %mul3A_171 = arith.muli %scan3A_169, %mul3A_170 : i32
        %add3A_172 = arith.constant 0 : i32
        %add3A_173 = arith.addi %add3A_172, %mul3A_171 : i32
        %broadcast_in_dim3A = arith.constant 0.000000e+00 : f32
        %broadcast_in_dim3A_174 = vector.broadcast %broadcast_in_dim3A : f32 to vector<16xf32>
        %swap3A = arith.index_cast %add3A_163 : i32 to index
        %swap3A_175 = arith.index_cast %add3A_173 : i32 to index
        %swap3A_176 = tpu.vector_load %arg9[%swap3A, %swap3A_175] {strides = array<i32>} : memref<80x128xf32, #tpu.memory_space<vmem>>, vector<1x16xf32>,
        %swap3A_177 = vector.shape_cast %swap3A_176 : vector<1x16xf32> to vector<16xf32>
        %swap3A_178 = vector.shape_cast %broadcast_in_dim3A_174 : vector<16xf32> to vector<1x16xf32>
        tpu.vector_store %arg9[%swap3A, %swap3A_175], %swap3A_178 {strides = array<i32>} : memref<80x128xf32, #tpu.memory_space<vmem>>, vector<1x16xf32>,
      }
      %scan3A_168 = arith.constant 8 : i32
    }
    %scan3A_4 = arith.constant 80 : i32
    %dma_start3A = arith.constant 0 : i32
    %dma_start3A_5 = arith.constant 0 : i32
    %dma_start3A_6 = arith.constant 0 : i32
    %dma_start3A_7 = tpu.memref_slice %arg3[%arg0, %arg1, %dma_start3A, %dma_start3A_5, %dma_start3A_6] : memref<2x16x5x50x80xi32, #tpu.memory_space<hbm>> -> memref<1x1x1x50x80xi32, #tpu.memory_space<hbm>>
    %dma_start3A_8 = tpu.memref_squeeze %dma_start3A_7 : memref<1x1x1x50x80xi32, #tpu.memory_space<hbm>> -> memref<50x80xi32, #tpu.memory_space<hbm>>
    %dma_start3A_9 = arith.constant 0 : i32
    %dma_start3A_10 = arith.constant 0 : i32
    %dma_start3A_11 = tpu.memref_slice %arg3[%arg0, %arg1, %dma_start3A, %dma_start3A_9, %dma_start3A_10] : memref<2x16x5x50x80xi32, #tpu.memory_space<hbm>> -> memref<1x1x1x50x80xi32, #tpu.memory_space<hbm>>
    %dma_start3A_12 = tpu.memref_squeeze %dma_start3A_11 : memref<1x1x1x50x80xi32, #tpu.memory_space<hbm>> -> memref<50x80xi32, #tpu.memory_space<hbm>>
    tpu.enqueue_dma source(%dma_start3A_12 : memref<50x80xi32, #tpu.memory_space<hbm>>) target(%arg5 : memref<50x80xi32, #tpu.memory_space<vmem>>) target_semaphore(%arg14 : memref<!tpu.dma_semaphore, #tpu.memory_space<semaphore_mem>>)
    %sub3A = arith.constant 1 : i32
    %sub3A_13 = arith.subi %sub3A, %arg0 : i32
    %dma_start3A_14 = arith.constant 0 : i32
    %dma_start3A_15 = arith.constant 0 : i32
    %dma_start3A_16 = arith.constant 0 : i32
    %dma_start3A_17 = tpu.memref_slice %arg3[%sub3A_13, %arg1, %dma_start3A_14, %dma_start3A_15, %dma_start3A_16] : memref<2x16x5x50x80xi32, #tpu.memory_space<hbm>> -> memref<1x1x1x50x80xi32, #tpu.memory_space<hbm>>
    %dma_start3A_18 = tpu.memref_squeeze %dma_start3A_17 : memref<1x1x1x50x80xi32, #tpu.memory_space<hbm>> -> memref<50x80xi32, #tpu.memory_space<hbm>>
    %dma_start3A_19 = arith.constant 0 : i32
    %dma_start3A_20 = arith.constant 0 : i32
    %dma_start3A_21 = tpu.memref_slice %arg3[%sub3A_13, %arg1, %dma_start3A_14, %dma_start3A_19, %dma_start3A_20] : memref<2x16x5x50x80xi32, #tpu.memory_space<hbm>> -> memref<1x1x1x50x80xi32, #tpu.memory_space<hbm>>
    %dma_start3A_22 = tpu.memref_squeeze %dma_start3A_21 : memref<1x1x1x50x80xi32, #tpu.memory_space<hbm>> -> memref<50x80xi32, #tpu.memory_space<hbm>>
    tpu.enqueue_dma source(%dma_start3A_22 : memref<50x80xi32, #tpu.memory_space<hbm>>) target(%arg6 : memref<50x80xi32, #tpu.memory_space<vmem>>) target_semaphore(%arg14 : memref<!tpu.dma_semaphore, #tpu.memory_space<semaphore_mem>>)
    %add3A = arith.constant 0 : i32
    %add3A_23 = arith.addi %mul3A_0, %add3A : i32
    %dma_start3A_24 = arith.constant 0 : i32
    %dma_start3A_25 = tpu.memref_slice %arg11[%add3A_23, %dma_start3A_24] : memref<10240x128xf32, #tpu.memory_space<vmem_shared>> -> memref<80x128xf32, #tpu.memory_space<vmem_shared>>
    %dma_start3A_26 = arith.constant 0 : i32
    %dma_start3A_27 = tpu.memref_slice %arg11[%add3A_23, %dma_start3A_26] : memref<10240x128xf32, #tpu.memory_space<vmem_shared>> -> memref<80x128xf32, #tpu.memory_space<vmem_shared>>
    tpu.enqueue_dma source(%arg9 : memref<80x128xf32, #tpu.memory_space<vmem>>) target(%dma_start3A_27 : memref<80x128xf32, #tpu.memory_space<vmem_shared>>) target_semaphore(%arg12 : memref<!tpu.dma_semaphore, #tpu.memory_space<semaphore_mem>>)
    %add3A_28 = arith.constant 80 : i32
    %add3A_29 = arith.addi %mul3A_0, %add3A_28 : i32
    %dma_start3A_30 = arith.constant 0 : i32
    %dma_start3A_31 = tpu.memref_slice %arg11[%add3A_29, %dma_start3A_30] : memref<10240x128xf32, #tpu.memory_space<vmem_shared>> -> memref<80x128xf32, #tpu.memory_space<vmem_shared>>
    %dma_start3A_32 = arith.constant 0 : i32
    %dma_start3A_33 = tpu.memref_slice %arg11[%add3A_29, %dma_start3A_32] : memref<10240x128xf32, #tpu.memory_space<vmem_shared>> -> memref<80x128xf32, #tpu.memory_space<vmem_shared>>
    tpu.enqueue_dma source(%arg9 : memref<80x128xf32, #tpu.memory_space<vmem>>) target(%dma_start3A_33 : memref<80x128xf32, #tpu.memory_space<vmem_shared>>) target_semaphore(%arg12 : memref<!tpu.dma_semaphore, #tpu.memory_space<semaphore_mem>>)
    %add3A_34 = arith.constant 160 : i32
    %add3A_35 = arith.addi %mul3A_0, %add3A_34 : i32
    %dma_start3A_36 = arith.constant 0 : i32
    %dma_start3A_37 = tpu.memref_slice %arg11[%add3A_35, %dma_start3A_36] : memref<10240x128xf32, #tpu.memory_space<vmem_shared>> -> memref<80x128xf32, #tpu.memory_space<vmem_shared>>
    %dma_start3A_38 = arith.constant 0 : i32
    %dma_start3A_39 = tpu.memref_slice %arg11[%add3A_35, %dma_start3A_38] : memref<10240x128xf32, #tpu.memory_space<vmem_shared>> -> memref<80x128xf32, #tpu.memory_space<vmem_shared>>
    tpu.enqueue_dma source(%arg9 : memref<80x128xf32, #tpu.memory_space<vmem>>) target(%dma_start3A_39 : memref<80x128xf32, #tpu.memory_space<vmem_shared>>) target_semaphore(%arg12 : memref<!tpu.dma_semaphore, #tpu.memory_space<semaphore_mem>>)
    %add3A_40 = arith.constant 240 : i32
    %add3A_41 = arith.addi %mul3A_0, %add3A_40 : i32
    %dma_start3A_42 = arith.constant 0 : i32
    %dma_start3A_43 = tpu.memref_slice %arg11[%add3A_41, %dma_start3A_42] : memref<10240x128xf32, #tpu.memory_space<vmem_shared>> -> memref<80x128xf32, #tpu.memory_space<vmem_shared>>
    %dma_start3A_44 = arith.constant 0 : i32
    %dma_start3A_45 = tpu.memref_slice %arg11[%add3A_41, %dma_start3A_44] : memref<10240x128xf32, #tpu.memory_space<vmem_shared>> -> memref<80x128xf32, #tpu.memory_space<vmem_shared>>
    tpu.enqueue_dma source(%arg9 : memref<80x128xf32, #tpu.memory_space<vmem>>) target(%dma_start3A_45 : memref<80x128xf32, #tpu.memory_space<vmem_shared>>) target_semaphore(%arg12 : memref<!tpu.dma_semaphore, #tpu.memory_space<semaphore_mem>>)
    %add3A_46 = arith.constant 320 : i32
    %add3A_47 = arith.addi %mul3A_0, %add3A_46 : i32
    %dma_start3A_48 = arith.constant 0 : i32
    %dma_start3A_49 = tpu.memref_slice %arg11[%add3A_47, %dma_start3A_48] : memref<10240x128xf32, #tpu.memory_space<vmem_shared>> -> memref<80x128xf32, #tpu.memory_space<vmem_shared>>
    %dma_start3A_50 = arith.constant 0 : i32
    %dma_start3A_51 = tpu.memref_slice %arg11[%add3A_47, %dma_start3A_50] : memref<10240x128xf32, #tpu.memory_space<vmem_shared>> -> memref<80x128xf32, #tpu.memory_space<vmem_shared>>
    tpu.enqueue_dma source(%arg9 : memref<80x128xf32, #tpu.memory_space<vmem>>) target(%dma_start3A_51 : memref<80x128xf32, #tpu.memory_space<vmem_shared>>) target_semaphore(%arg12 : memref<!tpu.dma_semaphore, #tpu.memory_space<semaphore_mem>>)
    %add3A_52 = arith.constant 400 : i32
    %add3A_53 = arith.addi %mul3A_0, %add3A_52 : i32
    %dma_start3A_54 = arith.constant 0 : i32
    %dma_start3A_55 = tpu.memref_slice %arg11[%add3A_53, %dma_start3A_54] : memref<10240x128xf32, #tpu.memory_space<vmem_shared>> -> memref<80x128xf32, #tpu.memory_space<vmem_shared>>
    %dma_start3A_56 = arith.constant 0 : i32
    %dma_start3A_57 = tpu.memref_slice %arg11[%add3A_53, %dma_start3A_56] : memref<10240x128xf32, #tpu.memory_space<vmem_shared>> -> memref<80x128xf32, #tpu.memory_space<vmem_shared>>
    tpu.enqueue_dma source(%arg9 : memref<80x128xf32, #tpu.memory_space<vmem>>) target(%dma_start3A_57 : memref<80x128xf32, #tpu.memory_space<vmem_shared>>) target_semaphore(%arg12 : memref<!tpu.dma_semaphore, #tpu.memory_space<semaphore_mem>>)
    %add3A_58 = arith.constant 480 : i32
    %add3A_59 = arith.addi %mul3A_0, %add3A_58 : i32
    %dma_start3A_60 = arith.constant 0 : i32
    %dma_start3A_61 = tpu.memref_slice %arg11[%add3A_59, %dma_start3A_60] : memref<10240x128xf32, #tpu.memory_space<vmem_shared>> -> memref<80x128xf32, #tpu.memory_space<vmem_shared>>
    %dma_start3A_62 = arith.constant 0 : i32
    %dma_start3A_63 = tpu.memref_slice %arg11[%add3A_59, %dma_start3A_62] : memref<10240x128xf32, #tpu.memory_space<vmem_shared>> -> memref<80x128xf32, #tpu.memory_space<vmem_shared>>
    tpu.enqueue_dma source(%arg9 : memref<80x128xf32, #tpu.memory_space<vmem>>) target(%dma_start3A_63 : memref<80x128xf32, #tpu.memory_space<vmem_shared>>) target_semaphore(%arg12 : memref<!tpu.dma_semaphore, #tpu.memory_space<semaphore_mem>>)
    %add3A_64 = arith.constant 560 : i32
    %add3A_65 = arith.addi %mul3A_0, %add3A_64 : i32
    %dma_start3A_66 = arith.constant 0 : i32
    %dma_start3A_67 = tpu.memref_slice %arg11[%add3A_65, %dma_start3A_66] : memref<10240x128xf32, #tpu.memory_space<vmem_shared>> -> memref<80x128xf32, #tpu.memory_space<vmem_shared>>
    %dma_start3A_68 = arith.constant 0 : i32
    %dma_start3A_69 = tpu.memref_slice %arg11[%add3A_65, %dma_start3A_68] : memref<10240x128xf32, #tpu.memory_space<vmem_shared>> -> memref<80x128xf32, #tpu.memory_space<vmem_shared>>
    tpu.enqueue_dma source(%arg9 : memref<80x128xf32, #tpu.memory_space<vmem>>) target(%dma_start3A_69 : memref<80x128xf32, #tpu.memory_space<vmem_shared>>) target_semaphore(%arg12 : memref<!tpu.dma_semaphore, #tpu.memory_space<semaphore_mem>>)
    %dma_wait3A = arith.constant 0 : i32
    %dma_wait3A_70 = tpu.memref_slice %arg11[%mul3A_0, %dma_wait3A] : memref<10240x128xf32, #tpu.memory_space<vmem_shared>> -> memref<80x128xf32, #tpu.memory_space<vmem_shared>>
    %dma_wait3A_71 = arith.constant 0 : i32
    %dma_wait3A_72 = tpu.memref_slice %arg11[%mul3A_0, %dma_wait3A_71] : memref<10240x128xf32, #tpu.memory_space<vmem_shared>> -> memref<80x128xf32, #tpu.memory_space<vmem_shared>>
    tpu.wait_dma2 semaphore(%arg12 : memref<!tpu.dma_semaphore, #tpu.memory_space<semaphore_mem>>) src(%arg9 : memref<80x128xf32, #tpu.memory_space<vmem>>) dst(%dma_wait3A_72 : memref<80x128xf32, #tpu.memory_space<vmem_shared>>)
    %dma_wait3A_73 = arith.constant 0 : i32
    %dma_wait3A_74 = tpu.memref_slice %arg11[%mul3A_0, %dma_wait3A_73] : memref<10240x128xf32, #tpu.memory_space<vmem_shared>> -> memref<80x128xf32, #tpu.memory_space<vmem_shared>>
    %dma_wait3A_75 = arith.constant 0 : i32
    %dma_wait3A_76 = tpu.memref_slice %arg11[%mul3A_0, %dma_wait3A_75] : memref<10240x128xf32, #tpu.memory_space<vmem_shared>> -> memref<80x128xf32, #tpu.memory_space<vmem_shared>>
    tpu.wait_dma2 semaphore(%arg12 : memref<!tpu.dma_semaphore, #tpu.memory_space<semaphore_mem>>) src(%arg9 : memref<80x128xf32, #tpu.memory_space<vmem>>) dst(%dma_wait3A_76 : memref<80x128xf32, #tpu.memory_space<vmem_shared>>)
    %dma_wait3A_77 = arith.constant 0 : i32
    %dma_wait3A_78 = tpu.memref_slice %arg11[%mul3A_0, %dma_wait3A_77] : memref<10240x128xf32, #tpu.memory_space<vmem_shared>> -> memref<80x128xf32, #tpu.memory_space<vmem_shared>>
    %dma_wait3A_79 = arith.constant 0 : i32
    %dma_wait3A_80 = tpu.memref_slice %arg11[%mul3A_0, %dma_wait3A_79] : memref<10240x128xf32, #tpu.memory_space<vmem_shared>> -> memref<80x128xf32, #tpu.memory_space<vmem_shared>>
    tpu.wait_dma2 semaphore(%arg12 : memref<!tpu.dma_semaphore, #tpu.memory_space<semaphore_mem>>) src(%arg9 : memref<80x128xf32, #tpu.memory_space<vmem>>) dst(%dma_wait3A_80 : memref<80x128xf32, #tpu.memory_space<vmem_shared>>)
    %dma_wait3A_81 = arith.constant 0 : i32
    %dma_wait3A_82 = tpu.memref_slice %arg11[%mul3A_0, %dma_wait3A_81] : memref<10240x128xf32, #tpu.memory_space<vmem_shared>> -> memref<80x128xf32, #tpu.memory_space<vmem_shared>>
    %dma_wait3A_83 = arith.constant 0 : i32
    %dma_wait3A_84 = tpu.memref_slice %arg11[%mul3A_0, %dma_wait3A_83] : memref<10240x128xf32, #tpu.memory_space<vmem_shared>> -> memref<80x128xf32, #tpu.memory_space<vmem_shared>>
    tpu.wait_dma2 semaphore(%arg12 : memref<!tpu.dma_semaphore, #tpu.memory_space<semaphore_mem>>) src(%arg9 : memref<80x128xf32, #tpu.memory_space<vmem>>) dst(%dma_wait3A_84 : memref<80x128xf32, #tpu.memory_space<vmem_shared>>)
    %dma_wait3A_85 = arith.constant 0 : i32
    %dma_wait3A_86 = tpu.memref_slice %arg11[%mul3A_0, %dma_wait3A_85] : memref<10240x128xf32, #tpu.memory_space<vmem_shared>> -> memref<80x128xf32, #tpu.memory_space<vmem_shared>>
    %dma_wait3A_87 = arith.constant 0 : i32
    %dma_wait3A_88 = tpu.memref_slice %arg11[%mul3A_0, %dma_wait3A_87] : memref<10240x128xf32, #tpu.memory_space<vmem_shared>> -> memref<80x128xf32, #tpu.memory_space<vmem_shared>>
    tpu.wait_dma2 semaphore(%arg12 : memref<!tpu.dma_semaphore, #tpu.memory_space<semaphore_mem>>) src(%arg9 : memref<80x128xf32, #tpu.memory_space<vmem>>) dst(%dma_wait3A_88 : memref<80x128xf32, #tpu.memory_space<vmem_shared>>)
    %dma_wait3A_89 = arith.constant 0 : i32
    %dma_wait3A_90 = tpu.memref_slice %arg11[%mul3A_0, %dma_wait3A_89] : memref<10240x128xf32, #tpu.memory_space<vmem_shared>> -> memref<80x128xf32, #tpu.memory_space<vmem_shared>>
    %dma_wait3A_91 = arith.constant 0 : i32
    %dma_wait3A_92 = tpu.memref_slice %arg11[%mul3A_0, %dma_wait3A_91] : memref<10240x128xf32, #tpu.memory_space<vmem_shared>> -> memref<80x128xf32, #tpu.memory_space<vmem_shared>>
    tpu.wait_dma2 semaphore(%arg12 : memref<!tpu.dma_semaphore, #tpu.memory_space<semaphore_mem>>) src(%arg9 : memref<80x128xf32, #tpu.memory_space<vmem>>) dst(%dma_wait3A_92 : memref<80x128xf32, #tpu.memory_space<vmem_shared>>)
    %dma_wait3A_93 = arith.constant 0 : i32
    %dma_wait3A_94 = tpu.memref_slice %arg11[%mul3A_0, %dma_wait3A_93] : memref<10240x128xf32, #tpu.memory_space<vmem_shared>> -> memref<80x128xf32, #tpu.memory_space<vmem_shared>>
    %dma_wait3A_95 = arith.constant 0 : i32
    %dma_wait3A_96 = tpu.memref_slice %arg11[%mul3A_0, %dma_wait3A_95] : memref<10240x128xf32, #tpu.memory_space<vmem_shared>> -> memref<80x128xf32, #tpu.memory_space<vmem_shared>>
    tpu.wait_dma2 semaphore(%arg12 : memref<!tpu.dma_semaphore, #tpu.memory_space<semaphore_mem>>) src(%arg9 : memref<80x128xf32, #tpu.memory_space<vmem>>) dst(%dma_wait3A_96 : memref<80x128xf32, #tpu.memory_space<vmem_shared>>)
    %dma_wait3A_97 = arith.constant 0 : i32
    %dma_wait3A_98 = tpu.memref_slice %arg11[%mul3A_0, %dma_wait3A_97] : memref<10240x128xf32, #tpu.memory_space<vmem_shared>> -> memref<80x128xf32, #tpu.memory_space<vmem_shared>>
    %dma_wait3A_99 = arith.constant 0 : i32
    %dma_wait3A_100 = tpu.memref_slice %arg11[%mul3A_0, %dma_wait3A_99] : memref<10240x128xf32, #tpu.memory_space<vmem_shared>> -> memref<80x128xf32, #tpu.memory_space<vmem_shared>>
    tpu.wait_dma2 semaphore(%arg12 : memref<!tpu.dma_semaphore, #tpu.memory_space<semaphore_mem>>) src(%arg9 : memref<80x128xf32, #tpu.memory_space<vmem>>) dst(%dma_wait3A_100 : memref<80x128xf32, #tpu.memory_space<vmem_shared>>)
    %barrier3A = arith.constant 0 : index
    tpu.barrier barrier_id(%barrier3A)
    %dma_wait3A_101 = arith.constant 0 : i32
    %dma_wait3A_102 = arith.constant 0 : i32
    %dma_wait3A_103 = arith.constant 0 : i32
    %dma_wait3A_104 = tpu.memref_slice %arg3[%arg0, %arg1, %dma_wait3A_101, %dma_wait3A_102, %dma_wait3A_103] : memref<2x16x5x50x80xi32, #tpu.memory_space<hbm>> -> memref<1x1x1x50x80xi32, #tpu.memory_space<hbm>>
    %dma_wait3A_105 = tpu.memref_squeeze %dma_wait3A_104 : memref<1x1x1x50x80xi32, #tpu.memory_space<hbm>> -> memref<50x80xi32, #tpu.memory_space<hbm>>
    %dma_wait3A_106 = arith.constant 0 : i32
    %dma_wait3A_107 = arith.constant 0 : i32
    %dma_wait3A_108 = tpu.memref_slice %arg3[%arg0, %arg1, %dma_wait3A_101, %dma_wait3A_106, %dma_wait3A_107] : memref<2x16x5x50x80xi32, #tpu.memory_space<hbm>> -> memref<1x1x1x50x80xi32, #tpu.memory_space<hbm>>
    %dma_wait3A_109 = tpu.memref_squeeze %dma_wait3A_108 : memref<1x1x1x50x80xi32, #tpu.memory_space<hbm>> -> memref<50x80xi32, #tpu.memory_space<hbm>>
    tpu.wait_dma2 semaphore(%arg14 : memref<!tpu.dma_semaphore, #tpu.memory_space<semaphore_mem>>) src(%dma_wait3A_109 : memref<50x80xi32, #tpu.memory_space<hbm>>) dst(%arg5 : memref<50x80xi32, #tpu.memory_space<vmem>>)
    %dma_wait3A_110 = arith.constant 0 : i32
    %dma_wait3A_111 = arith.constant 0 : i32
    %dma_wait3A_112 = arith.constant 0 : i32
    %dma_wait3A_113 = tpu.memref_slice %arg3[%arg0, %arg1, %dma_wait3A_110, %dma_wait3A_111, %dma_wait3A_112] : memref<2x16x5x50x80xi32, #tpu.memory_space<hbm>> -> memref<1x1x1x50x80xi32, #tpu.memory_space<hbm>>
    %dma_wait3A_114 = tpu.memref_squeeze %dma_wait3A_113 : memref<1x1x1x50x80xi32, #tpu.memory_space<hbm>> -> memref<50x80xi32, #tpu.memory_space<hbm>>
    %dma_wait3A_115 = arith.constant 0 : i32
    %dma_wait3A_116 = arith.constant 0 : i32
    %dma_wait3A_117 = tpu.memref_slice %arg3[%arg0, %arg1, %dma_wait3A_110, %dma_wait3A_115, %dma_wait3A_116] : memref<2x16x5x50x80xi32, #tpu.memory_space<hbm>> -> memref<1x1x1x50x80xi32, #tpu.memory_space<hbm>>
    %dma_wait3A_118 = tpu.memref_squeeze %dma_wait3A_117 : memref<1x1x1x50x80xi32, #tpu.memory_space<hbm>> -> memref<50x80xi32, #tpu.memory_space<hbm>>
    tpu.wait_dma2 semaphore(%arg14 : memref<!tpu.dma_semaphore, #tpu.memory_space<semaphore_mem>>) src(%dma_wait3A_118 : memref<50x80xi32, #tpu.memory_space<hbm>>) dst(%arg6 : memref<50x80xi32, #tpu.memory_space<vmem>>)
    %scan3A_119 = arith.constant 0 : i32
    %scan3A_120 = arith.constant 2 : i32
    %scan3A_121 = arith.addi %scan3A_119, %scan3A_120 : i32
    %scan3A_122 = arith.constant 1 : i32
    scf.for %scan3A_159 = %scan3A_119 to %scan3A_121 step %scan3A_122  : i32 {
      %mul3A_160 = arith.constant 1 : i32
      %mul3A_161 = arith.muli %scan3A_159, %mul3A_160 : i32
      %add3A_162 = arith.constant 0 : i32
      %add3A_163 = arith.addi %add3A_162, %mul3A_161 : i32
      %mul3A_164 = arith.constant 2 : i32
      %mul3A_165 = arith.muli %mul3A_164, %add3A_163 : i32
      %add3A_166 = arith.constant 1 : i32
      %add3A_167 = arith.addi %mul3A_165, %add3A_166 : i32
      %dma_start3A_168 = arith.constant 0 : i32
      %dma_start3A_169 = arith.constant 0 : i32
      %dma_start3A_170 = tpu.memref_slice %arg3[%arg0, %arg1, %add3A_167, %dma_start3A_168, %dma_start3A_169] : memref<2x16x5x50x80xi32, #tpu.memory_space<hbm>> -> memref<1x1x1x50x80xi32, #tpu.memory_space<hbm>>
      %dma_start3A_171 = tpu.memref_squeeze %dma_start3A_170 : memref<1x1x1x50x80xi32, #tpu.memory_space<hbm>> -> memref<50x80xi32, #tpu.memory_space<hbm>>
      %dma_start3A_172 = arith.constant 0 : i32
      %dma_start3A_173 = arith.constant 0 : i32
      %dma_start3A_174 = tpu.memref_slice %arg3[%arg0, %arg1, %add3A_167, %dma_start3A_172, %dma_start3A_173] : memref<2x16x5x50x80xi32, #tpu.memory_space<hbm>> -> memref<1x1x1x50x80xi32, #tpu.memory_space<hbm>>
      %dma_start3A_175 = tpu.memref_squeeze %dma_start3A_174 : memref<1x1x1x50x80xi32, #tpu.memory_space<hbm>> -> memref<50x80xi32, #tpu.memory_space<hbm>>
      tpu.enqueue_dma source(%dma_start3A_175 : memref<50x80xi32, #tpu.memory_space<hbm>>) target(%arg7 : memref<50x80xi32, #tpu.memory_space<vmem>>) target_semaphore(%arg14 : memref<!tpu.dma_semaphore, #tpu.memory_space<semaphore_mem>>)
      %sub3A_176 = arith.constant 1 : i32
      %sub3A_177 = arith.subi %sub3A_176, %arg0 : i32
      %dma_start3A_178 = arith.constant 0 : i32
      %dma_start3A_179 = arith.constant 0 : i32
      %dma_start3A_180 = tpu.memref_slice %arg3[%sub3A_177, %arg1, %add3A_167, %dma_start3A_178, %dma_start3A_179] : memref<2x16x5x50x80xi32, #tpu.memory_space<hbm>> -> memref<1x1x1x50x80xi32, #tpu.memory_space<hbm>>
      %dma_start3A_181 = tpu.memref_squeeze %dma_start3A_180 : memref<1x1x1x50x80xi32, #tpu.memory_space<hbm>> -> memref<50x80xi32, #tpu.memory_space<hbm>>
      %dma_start3A_182 = arith.constant 0 : i32
      %dma_start3A_183 = arith.constant 0 : i32
      %dma_start3A_184 = tpu.memref_slice %arg3[%sub3A_177, %arg1, %add3A_167, %dma_start3A_182, %dma_start3A_183] : memref<2x16x5x50x80xi32, #tpu.memory_space<hbm>> -> memref<1x1x1x50x80xi32, #tpu.memory_space<hbm>>
      %dma_start3A_185 = tpu.memref_squeeze %dma_start3A_184 : memref<1x1x1x50x80xi32, #tpu.memory_space<hbm>> -> memref<50x80xi32, #tpu.memory_space<hbm>>
      tpu.enqueue_dma source(%dma_start3A_185 : memref<50x80xi32, #tpu.memory_space<hbm>>) target(%arg8 : memref<50x80xi32, #tpu.memory_space<vmem>>) target_semaphore(%arg14 : memref<!tpu.dma_semaphore, #tpu.memory_space<semaphore_mem>>)
      %dma_start3A_186 = arith.constant 0 : i32
      %dma_start3A_187 = arith.constant 0 : i32
      %dma_start3A_188 = tpu.memref_slice %arg5[%dma_start3A_186, %dma_start3A_187] : memref<50x80xi32, #tpu.memory_space<vmem>> -> memref<1x80xi32, #tpu.memory_space<vmem>>
      %dma_start3A_189 = tpu.memref_squeeze %dma_start3A_188 : memref<1x80xi32, #tpu.memory_space<vmem>> -> memref<80xi32, #tpu.memory_space<vmem>>
      %dma_start3A_190 = arith.constant 0 : i32
      %dma_start3A_191 = arith.constant 0 : i32
      %dma_start3A_192 = tpu.memref_slice %arg2[%dma_start3A_190, %dma_start3A_191] : memref<10000x128xf32, #tpu.memory_space<hbm>> -> memref<10000x128xf32, #tpu.memory_space<hbm>>
      tpu.enqueue_indirect_dma source(%dma_start3A_192 : memref<10000x128xf32, #tpu.memory_space<hbm>>) target(%arg9 : memref<80x128xf32, #tpu.memory_space<vmem>>) offsets(%dma_start3A_189 : memref<80xi32, #tpu.memory_space<vmem>>) semaphore(%arg12 : memref<!tpu.dma_semaphore, #tpu.memory_space<semaphore_mem>>)
      %scan3A_193 = arith.constant 0 : i32
      %scan3A_194 = arith.constant 24 : i32
      %scan3A_195 = arith.addi %scan3A_193, %scan3A_194 : i32
      %scan3A_196 = arith.constant 1 : i32
      scf.for %scan3A_312 = %scan3A_193 to %scan3A_195 step %scan3A_196  : i32 {
        %mul3A_313 = arith.constant 1 : i32
        %mul3A_314 = arith.muli %scan3A_312, %mul3A_313 : i32
        %add3A_315 = arith.constant 0 : i32
        %add3A_316 = arith.addi %add3A_315, %mul3A_314 : i32
        %mul3A_317 = arith.constant 2 : i32
        %mul3A_318 = arith.muli %mul3A_317, %add3A_316 : i32
        %add3A_319 = arith.constant 1 : i32
        %add3A_320 = arith.addi %mul3A_318, %add3A_319 : i32
        %dma_start3A_321 = arith.constant 0 : i32
        %dma_start3A_322 = tpu.memref_slice %arg5[%add3A_320, %dma_start3A_321] : memref<50x80xi32, #tpu.memory_space<vmem>> -> memref<1x80xi32, #tpu.memory_space<vmem>>
        %dma_start3A_323 = tpu.memref_squeeze %dma_start3A_322 : memref<1x80xi32, #tpu.memory_space<vmem>> -> memref<80xi32, #tpu.memory_space<vmem>>
        %dma_start3A_324 = arith.constant 0 : i32
        %dma_start3A_325 = arith.constant 0 : i32
        %dma_start3A_326 = tpu.memref_slice %arg2[%dma_start3A_324, %dma_start3A_325] : memref<10000x128xf32, #tpu.memory_space<hbm>> -> memref<10000x128xf32, #tpu.memory_space<hbm>>
        tpu.enqueue_indirect_dma source(%dma_start3A_326 : memref<10000x128xf32, #tpu.memory_space<hbm>>) target(%arg10 : memref<80x128xf32, #tpu.memory_space<vmem>>) offsets(%dma_start3A_323 : memref<80xi32, #tpu.memory_space<vmem>>) semaphore(%arg13 : memref<!tpu.dma_semaphore, #tpu.memory_space<semaphore_mem>>)
        %dma_wait3A_327 = arith.constant 0 : i32
        %dma_wait3A_328 = arith.constant 0 : i32
        %dma_wait3A_329 = tpu.memref_slice %arg5[%dma_wait3A_327, %dma_wait3A_328] : memref<50x80xi32, #tpu.memory_space<vmem>> -> memref<1x80xi32, #tpu.memory_space<vmem>>
        %dma_wait3A_330 = tpu.memref_squeeze %dma_wait3A_329 : memref<1x80xi32, #tpu.memory_space<vmem>> -> memref<80xi32, #tpu.memory_space<vmem>>
        %dma_wait3A_331 = arith.constant 0 : i32
        %dma_wait3A_332 = arith.constant 0 : i32
        %dma_wait3A_333 = tpu.memref_slice %arg2[%dma_wait3A_331, %dma_wait3A_332] : memref<10000x128xf32, #tpu.memory_space<hbm>> -> memref<10000x128xf32, #tpu.memory_space<hbm>>
        tpu.wait_indirect_dma semaphore(%arg12 : memref<!tpu.dma_semaphore, #tpu.memory_space<semaphore_mem>>) src(%dma_wait3A_333 : memref<10000x128xf32, #tpu.memory_space<hbm>>) dst(%arg9 : memref<80x128xf32, #tpu.memory_space<vmem>>)
        "tpu.region"() ({
          %run_scoped3A_351 = tpu.sem_alloc : memref<!tpu.dma_semaphore, #tpu.memory_space<semaphore_mem>>
          %dma_start3A_352 = arith.constant 0 : i32
          %dma_start3A_353 = tpu.memref_slice %arg6[%mul3A_318, %dma_start3A_352] : memref<50x80xi32, #tpu.memory_space<vmem>> -> memref<1x80xi32, #tpu.memory_space<vmem>>
          %dma_start3A_354 = tpu.memref_squeeze %dma_start3A_353 : memref<1x80xi32, #tpu.memory_space<vmem>> -> memref<80xi32, #tpu.memory_space<vmem>>
          %dma_start3A_355 = arith.constant 0 : i32
          %dma_start3A_356 = arith.constant 0 : i32
          %dma_start3A_357 = tpu.memref_slice %arg11[%dma_start3A_355, %dma_start3A_356] : memref<10240x128xf32, #tpu.memory_space<vmem_shared>> -> memref<10240x128xf32, #tpu.memory_space<vmem_shared>>
          tpu.enqueue_indirect_dma source(%arg9 : memref<80x128xf32, #tpu.memory_space<vmem>>) target(%dma_start3A_357 : memref<10240x128xf32, #tpu.memory_space<vmem_shared>>) offsets(%dma_start3A_354 : memref<80xi32, #tpu.memory_space<vmem>>) semaphore(%run_scoped3A_351 : memref<!tpu.dma_semaphore, #tpu.memory_space<semaphore_mem>>) {add = true}
          %dma_wait3A_358 = arith.constant 0 : i32
          %dma_wait3A_359 = tpu.memref_slice %arg6[%mul3A_318, %dma_wait3A_358] : memref<50x80xi32, #tpu.memory_space<vmem>> -> memref<1x80xi32, #tpu.memory_space<vmem>>
          %dma_wait3A_360 = tpu.memref_squeeze %dma_wait3A_359 : memref<1x80xi32, #tpu.memory_space<vmem>> -> memref<80xi32, #tpu.memory_space<vmem>>
          %dma_wait3A_361 = arith.constant 0 : i32
          %dma_wait3A_362 = arith.constant 0 : i32
          %dma_wait3A_363 = tpu.memref_slice %arg11[%dma_wait3A_361, %dma_wait3A_362] : memref<10240x128xf32, #tpu.memory_space<vmem_shared>> -> memref<10240x128xf32, #tpu.memory_space<vmem_shared>>
          tpu.wait_indirect_dma semaphore(%run_scoped3A_351 : memref<!tpu.dma_semaphore, #tpu.memory_space<semaphore_mem>>) src(%arg9 : memref<80x128xf32, #tpu.memory_space<vmem>>) dst(%dma_wait3A_363 : memref<10240x128xf32, #tpu.memory_space<vmem_shared>>)
          tpu.yield
        }) : () -> ()
        %add3A_334 = arith.constant 2 : i32
        %add3A_335 = arith.addi %mul3A_318, %add3A_334 : i32
        %dma_start3A_336 = arith.constant 0 : i32
        %dma_start3A_337 = tpu.memref_slice %arg5[%add3A_335, %dma_start3A_336] : memref<50x80xi32, #tpu.memory_space<vmem>> -> memref<1x80xi32, #tpu.memory_space<vmem>>
        %dma_start3A_338 = tpu.memref_squeeze %dma_start3A_337 : memref<1x80xi32, #tpu.memory_space<vmem>> -> memref<80xi32, #tpu.memory_space<vmem>>
        %dma_start3A_339 = arith.constant 0 : i32
        %dma_start3A_340 = arith.constant 0 : i32
        %dma_start3A_341 = tpu.memref_slice %arg2[%dma_start3A_339, %dma_start3A_340] : memref<10000x128xf32, #tpu.memory_space<hbm>> -> memref<10000x128xf32, #tpu.memory_space<hbm>>
        tpu.enqueue_indirect_dma source(%dma_start3A_341 : memref<10000x128xf32, #tpu.memory_space<hbm>>) target(%arg9 : memref<80x128xf32, #tpu.memory_space<vmem>>) offsets(%dma_start3A_338 : memref<80xi32, #tpu.memory_space<vmem>>) semaphore(%arg12 : memref<!tpu.dma_semaphore, #tpu.memory_space<semaphore_mem>>)
        %dma_wait3A_342 = arith.constant 0 : i32
        %dma_wait3A_343 = arith.constant 0 : i32
        %dma_wait3A_344 = tpu.memref_slice %arg5[%dma_wait3A_342, %dma_wait3A_343] : memref<50x80xi32, #tpu.memory_space<vmem>> -> memref<1x80xi32, #tpu.memory_space<vmem>>
        %dma_wait3A_345 = tpu.memref_squeeze %dma_wait3A_344 : memref<1x80xi32, #tpu.memory_space<vmem>> -> memref<80xi32, #tpu.memory_space<vmem>>
        %dma_wait3A_346 = arith.constant 0 : i32
        %dma_wait3A_347 = arith.constant 0 : i32
        %dma_wait3A_348 = tpu.memref_slice %arg2[%dma_wait3A_346, %dma_wait3A_347] : memref<10000x128xf32, #tpu.memory_space<hbm>> -> memref<10000x128xf32, #tpu.memory_space<hbm>>
        tpu.wait_indirect_dma semaphore(%arg13 : memref<!tpu.dma_semaphore, #tpu.memory_space<semaphore_mem>>) src(%dma_wait3A_348 : memref<10000x128xf32, #tpu.memory_space<hbm>>) dst(%arg10 : memref<80x128xf32, #tpu.memory_space<vmem>>)
        %add3A_349 = arith.constant 1 : i32
        %add3A_350 = arith.addi %mul3A_318, %add3A_349 : i32
        "tpu.region"() ({
          %run_scoped3A_351 = tpu.sem_alloc : memref<!tpu.dma_semaphore, #tpu.memory_space<semaphore_mem>>
          %dma_start3A_352 = arith.constant 0 : i32
          %dma_start3A_353 = tpu.memref_slice %arg6[%add3A_350, %dma_start3A_352] : memref<50x80xi32, #tpu.memory_space<vmem>> -> memref<1x80xi32, #tpu.memory_space<vmem>>
          %dma_start3A_354 = tpu.memref_squeeze %dma_start3A_353 : memref<1x80xi32, #tpu.memory_space<vmem>> -> memref<80xi32, #tpu.memory_space<vmem>>
          %dma_start3A_355 = arith.constant 0 : i32
          %dma_start3A_356 = arith.constant 0 : i32
          %dma_start3A_357 = tpu.memref_slice %arg11[%dma_start3A_355, %dma_start3A_356] : memref<10240x128xf32, #tpu.memory_space<vmem_shared>> -> memref<10240x128xf32, #tpu.memory_space<vmem_shared>>
          tpu.enqueue_indirect_dma source(%arg10 : memref<80x128xf32, #tpu.memory_space<vmem>>) target(%dma_start3A_357 : memref<10240x128xf32, #tpu.memory_space<vmem_shared>>) offsets(%dma_start3A_354 : memref<80xi32, #tpu.memory_space<vmem>>) semaphore(%run_scoped3A_351 : memref<!tpu.dma_semaphore, #tpu.memory_space<semaphore_mem>>) {add = true}
          %dma_wait3A_358 = arith.constant 0 : i32
          %dma_wait3A_359 = tpu.memref_slice %arg6[%add3A_350, %dma_wait3A_358] : memref<50x80xi32, #tpu.memory_space<vmem>> -> memref<1x80xi32, #tpu.memory_space<vmem>>
          %dma_wait3A_360 = tpu.memref_squeeze %dma_wait3A_359 : memref<1x80xi32, #tpu.memory_space<vmem>> -> memref<80xi32, #tpu.memory_space<vmem>>
          %dma_wait3A_361 = arith.constant 0 : i32
          %dma_wait3A_362 = arith.constant 0 : i32
          %dma_wait3A_363 = tpu.memref_slice %arg11[%dma_wait3A_361, %dma_wait3A_362] : memref<10240x128xf32, #tpu.memory_space<vmem_shared>> -> memref<10240x128xf32, #tpu.memory_space<vmem_shared>>
          tpu.wait_indirect_dma semaphore(%run_scoped3A_351 : memref<!tpu.dma_semaphore, #tpu.memory_space<semaphore_mem>>) src(%arg10 : memref<80x128xf32, #tpu.memory_space<vmem>>) dst(%dma_wait3A_363 : memref<10240x128xf32, #tpu.memory_space<vmem_shared>>)
          tpu.yield
        }) : () -> ()
      }
      %scan3A_197 = arith.constant 24 : i32
      %dma_start3A_198 = arith.constant 49 : i32
      %dma_start3A_199 = arith.constant 0 : i32
      %dma_start3A_200 = tpu.memref_slice %arg5[%dma_start3A_198, %dma_start3A_199] : memref<50x80xi32, #tpu.memory_space<vmem>> -> memref<1x80xi32, #tpu.memory_space<vmem>>
      %dma_start3A_201 = tpu.memref_squeeze %dma_start3A_200 : memref<1x80xi32, #tpu.memory_space<vmem>> -> memref<80xi32, #tpu.memory_space<vmem>>
      %dma_start3A_202 = arith.constant 0 : i32
      %dma_start3A_203 = arith.constant 0 : i32
      %dma_start3A_204 = tpu.memref_slice %arg2[%dma_start3A_202, %dma_start3A_203] : memref<10000x128xf32, #tpu.memory_space<hbm>> -> memref<10000x128xf32, #tpu.memory_space<hbm>>
      tpu.enqueue_indirect_dma source(%dma_start3A_204 : memref<10000x128xf32, #tpu.memory_space<hbm>>) target(%arg10 : memref<80x128xf32, #tpu.memory_space<vmem>>) offsets(%dma_start3A_201 : memref<80xi32, #tpu.memory_space<vmem>>) semaphore(%arg13 : memref<!tpu.dma_semaphore, #tpu.memory_space<semaphore_mem>>)
      %dma_wait3A_205 = arith.constant 0 : i32
      %dma_wait3A_206 = arith.constant 0 : i32
      %dma_wait3A_207 = tpu.memref_slice %arg5[%dma_wait3A_205, %dma_wait3A_206] : memref<50x80xi32, #tpu.memory_space<vmem>> -> memref<1x80xi32, #tpu.memory_space<vmem>>
      %dma_wait3A_208 = tpu.memref_squeeze %dma_wait3A_207 : memref<1x80xi32, #tpu.memory_space<vmem>> -> memref<80xi32, #tpu.memory_space<vmem>>
      %dma_wait3A_209 = arith.constant 0 : i32
      %dma_wait3A_210 = arith.constant 0 : i32
      %dma_wait3A_211 = tpu.memref_slice %arg2[%dma_wait3A_209, %dma_wait3A_210] : memref<10000x128xf32, #tpu.memory_space<hbm>> -> memref<10000x128xf32, #tpu.memory_space<hbm>>
      tpu.wait_indirect_dma semaphore(%arg12 : memref<!tpu.dma_semaphore, #tpu.memory_space<semaphore_mem>>) src(%dma_wait3A_211 : memref<10000x128xf32, #tpu.memory_space<hbm>>) dst(%arg9 : memref<80x128xf32, #tpu.memory_space<vmem>>)
      %run_scoped3A_212 = arith.constant 48 : i32
      "tpu.region"() ({
        %run_scoped3A_312 = tpu.sem_alloc : memref<!tpu.dma_semaphore, #tpu.memory_space<semaphore_mem>>
        %dma_start3A_313 = arith.constant 0 : i32
        %dma_start3A_314 = tpu.memref_slice %arg6[%run_scoped3A_212, %dma_start3A_313] : memref<50x80xi32, #tpu.memory_space<vmem>> -> memref<1x80xi32, #tpu.memory_space<vmem>>
        %dma_start3A_315 = tpu.memref_squeeze %dma_start3A_314 : memref<1x80xi32, #tpu.memory_space<vmem>> -> memref<80xi32, #tpu.memory_space<vmem>>
        %dma_start3A_316 = arith.constant 0 : i32
        %dma_start3A_317 = arith.constant 0 : i32
        %dma_start3A_318 = tpu.memref_slice %arg11[%dma_start3A_316, %dma_start3A_317] : memref<10240x128xf32, #tpu.memory_space<vmem_shared>> -> memref<10240x128xf32, #tpu.memory_space<vmem_shared>>
        tpu.enqueue_indirect_dma source(%arg9 : memref<80x128xf32, #tpu.memory_space<vmem>>) target(%dma_start3A_318 : memref<10240x128xf32, #tpu.memory_space<vmem_shared>>) offsets(%dma_start3A_315 : memref<80xi32, #tpu.memory_space<vmem>>) semaphore(%run_scoped3A_312 : memref<!tpu.dma_semaphore, #tpu.memory_space<semaphore_mem>>) {add = true}
        %dma_wait3A_319 = arith.constant 0 : i32
        %dma_wait3A_320 = tpu.memref_slice %arg6[%run_scoped3A_212, %dma_wait3A_319] : memref<50x80xi32, #tpu.memory_space<vmem>> -> memref<1x80xi32, #tpu.memory_space<vmem>>
        %dma_wait3A_321 = tpu.memref_squeeze %dma_wait3A_320 : memref<1x80xi32, #tpu.memory_space<vmem>> -> memref<80xi32, #tpu.memory_space<vmem>>
        %dma_wait3A_322 = arith.constant 0 : i32
        %dma_wait3A_323 = arith.constant 0 : i32
        %dma_wait3A_324 = tpu.memref_slice %arg11[%dma_wait3A_322, %dma_wait3A_323] : memref<10240x128xf32, #tpu.memory_space<vmem_shared>> -> memref<10240x128xf32, #tpu.memory_space<vmem_shared>>
        tpu.wait_indirect_dma semaphore(%run_scoped3A_312 : memref<!tpu.dma_semaphore, #tpu.memory_space<semaphore_mem>>) src(%arg9 : memref<80x128xf32, #tpu.memory_space<vmem>>) dst(%dma_wait3A_324 : memref<10240x128xf32, #tpu.memory_space<vmem_shared>>)
        tpu.yield
      }) : () -> ()
      %dma_wait3A_213 = arith.constant 0 : i32
      %dma_wait3A_214 = arith.constant 0 : i32
      %dma_wait3A_215 = tpu.memref_slice %arg5[%dma_wait3A_213, %dma_wait3A_214] : memref<50x80xi32, #tpu.memory_space<vmem>> -> memref<1x80xi32, #tpu.memory_space<vmem>>
      %dma_wait3A_216 = tpu.memref_squeeze %dma_wait3A_215 : memref<1x80xi32, #tpu.memory_space<vmem>> -> memref<80xi32, #tpu.memory_space<vmem>>
      %dma_wait3A_217 = arith.constant 0 : i32
      %dma_wait3A_218 = arith.constant 0 : i32
      %dma_wait3A_219 = tpu.memref_slice %arg2[%dma_wait3A_217, %dma_wait3A_218] : memref<10000x128xf32, #tpu.memory_space<hbm>> -> memref<10000x128xf32, #tpu.memory_space<hbm>>
      tpu.wait_indirect_dma semaphore(%arg13 : memref<!tpu.dma_semaphore, #tpu.memory_space<semaphore_mem>>) src(%dma_wait3A_219 : memref<10000x128xf32, #tpu.memory_space<hbm>>) dst(%arg10 : memref<80x128xf32, #tpu.memory_space<vmem>>)
      %run_scoped3A_220 = arith.constant 49 : i32
      "tpu.region"() ({
        %run_scoped3A_312 = tpu.sem_alloc : memref<!tpu.dma_semaphore, #tpu.memory_space<semaphore_mem>>
        %dma_start3A_313 = arith.constant 0 : i32
        %dma_start3A_314 = tpu.memref_slice %arg6[%run_scoped3A_220, %dma_start3A_313] : memref<50x80xi32, #tpu.memory_space<vmem>> -> memref<1x80xi32, #tpu.memory_space<vmem>>
        %dma_start3A_315 = tpu.memref_squeeze %dma_start3A_314 : memref<1x80xi32, #tpu.memory_space<vmem>> -> memref<80xi32, #tpu.memory_space<vmem>>
        %dma_start3A_316 = arith.constant 0 : i32
        %dma_start3A_317 = arith.constant 0 : i32
        %dma_start3A_318 = tpu.memref_slice %arg11[%dma_start3A_316, %dma_start3A_317] : memref<10240x128xf32, #tpu.memory_space<vmem_shared>> -> memref<10240x128xf32, #tpu.memory_space<vmem_shared>>
        tpu.enqueue_indirect_dma source(%arg10 : memref<80x128xf32, #tpu.memory_space<vmem>>) target(%dma_start3A_318 : memref<10240x128xf32, #tpu.memory_space<vmem_shared>>) offsets(%dma_start3A_315 : memref<80xi32, #tpu.memory_space<vmem>>) semaphore(%run_scoped3A_312 : memref<!tpu.dma_semaphore, #tpu.memory_space<semaphore_mem>>) {add = true}
        %dma_wait3A_319 = arith.constant 0 : i32
        %dma_wait3A_320 = tpu.memref_slice %arg6[%run_scoped3A_220, %dma_wait3A_319] : memref<50x80xi32, #tpu.memory_space<vmem>> -> memref<1x80xi32, #tpu.memory_space<vmem>>
        %dma_wait3A_321 = tpu.memref_squeeze %dma_wait3A_320 : memref<1x80xi32, #tpu.memory_space<vmem>> -> memref<80xi32, #tpu.memory_space<vmem>>
        %dma_wait3A_322 = arith.constant 0 : i32
        %dma_wait3A_323 = arith.constant 0 : i32
        %dma_wait3A_324 = tpu.memref_slice %arg11[%dma_wait3A_322, %dma_wait3A_323] : memref<10240x128xf32, #tpu.memory_space<vmem_shared>> -> memref<10240x128xf32, #tpu.memory_space<vmem_shared>>
        tpu.wait_indirect_dma semaphore(%run_scoped3A_312 : memref<!tpu.dma_semaphore, #tpu.memory_space<semaphore_mem>>) src(%arg10 : memref<80x128xf32, #tpu.memory_space<vmem>>) dst(%dma_wait3A_324 : memref<10240x128xf32, #tpu.memory_space<vmem_shared>>)
        tpu.yield
      }) : () -> ()
      %dma_wait3A_221 = arith.constant 0 : i32
      %dma_wait3A_222 = arith.constant 0 : i32
      %dma_wait3A_223 = arith.constant 0 : i32
      %dma_wait3A_224 = tpu.memref_slice %arg3[%arg0, %arg1, %dma_wait3A_221, %dma_wait3A_222, %dma_wait3A_223] : memref<2x16x5x50x80xi32, #tpu.memory_space<hbm>> -> memref<1x1x1x50x80xi32, #tpu.memory_space<hbm>>
      %dma_wait3A_225 = tpu.memref_squeeze %dma_wait3A_224 : memref<1x1x1x50x80xi32, #tpu.memory_space<hbm>> -> memref<50x80xi32, #tpu.memory_space<hbm>>
      %dma_wait3A_226 = arith.constant 0 : i32
      %dma_wait3A_227 = arith.constant 0 : i32
      %dma_wait3A_228 = tpu.memref_slice %arg3[%arg0, %arg1, %dma_wait3A_221, %dma_wait3A_226, %dma_wait3A_227] : memref<2x16x5x50x80xi32, #tpu.memory_space<hbm>> -> memref<1x1x1x50x80xi32, #tpu.memory_space<hbm>>
      %dma_wait3A_229 = tpu.memref_squeeze %dma_wait3A_228 : memref<1x1x1x50x80xi32, #tpu.memory_space<hbm>> -> memref<50x80xi32, #tpu.memory_space<hbm>>
      tpu.wait_dma2 semaphore(%arg14 : memref<!tpu.dma_semaphore, #tpu.memory_space<semaphore_mem>>) src(%dma_wait3A_229 : memref<50x80xi32, #tpu.memory_space<hbm>>) dst(%arg7 : memref<50x80xi32, #tpu.memory_space<vmem>>)
      %dma_wait3A_230 = arith.constant 0 : i32
      %dma_wait3A_231 = arith.constant 0 : i32
      %dma_wait3A_232 = arith.constant 0 : i32
      %dma_wait3A_233 = tpu.memref_slice %arg3[%arg0, %arg1, %dma_wait3A_230, %dma_wait3A_231, %dma_wait3A_232] : memref<2x16x5x50x80xi32, #tpu.memory_space<hbm>> -> memref<1x1x1x50x80xi32, #tpu.memory_space<hbm>>
      %dma_wait3A_234 = tpu.memref_squeeze %dma_wait3A_233 : memref<1x1x1x50x80xi32, #tpu.memory_space<hbm>> -> memref<50x80xi32, #tpu.memory_space<hbm>>
      %dma_wait3A_235 = arith.constant 0 : i32
      %dma_wait3A_236 = arith.constant 0 : i32
      %dma_wait3A_237 = tpu.memref_slice %arg3[%arg0, %arg1, %dma_wait3A_230, %dma_wait3A_235, %dma_wait3A_236] : memref<2x16x5x50x80xi32, #tpu.memory_space<hbm>> -> memref<1x1x1x50x80xi32, #tpu.memory_space<hbm>>
      %dma_wait3A_238 = tpu.memref_squeeze %dma_wait3A_237 : memref<1x1x1x50x80xi32, #tpu.memory_space<hbm>> -> memref<50x80xi32, #tpu.memory_space<hbm>>
      tpu.wait_dma2 semaphore(%arg14 : memref<!tpu.dma_semaphore, #tpu.memory_space<semaphore_mem>>) src(%dma_wait3A_238 : memref<50x80xi32, #tpu.memory_space<hbm>>) dst(%arg8 : memref<50x80xi32, #tpu.memory_space<vmem>>)
      %add3A_239 = arith.constant 2 : i32
      %add3A_240 = arith.addi %mul3A_165, %add3A_239 : i32
      %dma_start3A_241 = arith.constant 0 : i32
      %dma_start3A_242 = arith.constant 0 : i32
      %dma_start3A_243 = tpu.memref_slice %arg3[%arg0, %arg1, %add3A_240, %dma_start3A_241, %dma_start3A_242] : memref<2x16x5x50x80xi32, #tpu.memory_space<hbm>> -> memref<1x1x1x50x80xi32, #tpu.memory_space<hbm>>
      %dma_start3A_244 = tpu.memref_squeeze %dma_start3A_243 : memref<1x1x1x50x80xi32, #tpu.memory_space<hbm>> -> memref<50x80xi32, #tpu.memory_space<hbm>>
      %dma_start3A_245 = arith.constant 0 : i32
      %dma_start3A_246 = arith.constant 0 : i32
      %dma_start3A_247 = tpu.memref_slice %arg3[%arg0, %arg1, %add3A_240, %dma_start3A_245, %dma_start3A_246] : memref<2x16x5x50x80xi32, #tpu.memory_space<hbm>> -> memref<1x1x1x50x80xi32, #tpu.memory_space<hbm>>
      %dma_start3A_248 = tpu.memref_squeeze %dma_start3A_247 : memref<1x1x1x50x80xi32, #tpu.memory_space<hbm>> -> memref<50x80xi32, #tpu.memory_space<hbm>>
      tpu.enqueue_dma source(%dma_start3A_248 : memref<50x80xi32, #tpu.memory_space<hbm>>) target(%arg5 : memref<50x80xi32, #tpu.memory_space<vmem>>) target_semaphore(%arg14 : memref<!tpu.dma_semaphore, #tpu.memory_space<semaphore_mem>>)
      %sub3A_249 = arith.constant 1 : i32
      %sub3A_250 = arith.subi %sub3A_249, %arg0 : i32
      %dma_start3A_251 = arith.constant 0 : i32
      %dma_start3A_252 = arith.constant 0 : i32
      %dma_start3A_253 = tpu.memref_slice %arg3[%sub3A_250, %arg1, %add3A_240, %dma_start3A_251, %dma_start3A_252] : memref<2x16x5x50x80xi32, #tpu.memory_space<hbm>> -> memref<1x1x1x50x80xi32, #tpu.memory_space<hbm>>
      %dma_start3A_254 = tpu.memref_squeeze %dma_start3A_253 : memref<1x1x1x50x80xi32, #tpu.memory_space<hbm>> -> memref<50x80xi32, #tpu.memory_space<hbm>>
      %dma_start3A_255 = arith.constant 0 : i32
      %dma_start3A_256 = arith.constant 0 : i32
      %dma_start3A_257 = tpu.memref_slice %arg3[%sub3A_250, %arg1, %add3A_240, %dma_start3A_255, %dma_start3A_256] : memref<2x16x5x50x80xi32, #tpu.memory_space<hbm>> -> memref<1x1x1x50x80xi32, #tpu.memory_space<hbm>>
      %dma_start3A_258 = tpu.memref_squeeze %dma_start3A_257 : memref<1x1x1x50x80xi32, #tpu.memory_space<hbm>> -> memref<50x80xi32, #tpu.memory_space<hbm>>
      tpu.enqueue_dma source(%dma_start3A_258 : memref<50x80xi32, #tpu.memory_space<hbm>>) target(%arg6 : memref<50x80xi32, #tpu.memory_space<vmem>>) target_semaphore(%arg14 : memref<!tpu.dma_semaphore, #tpu.memory_space<semaphore_mem>>)
      %dma_start3A_259 = arith.constant 0 : i32
      %dma_start3A_260 = arith.constant 0 : i32
      %dma_start3A_261 = tpu.memref_slice %arg7[%dma_start3A_259, %dma_start3A_260] : memref<50x80xi32, #tpu.memory_space<vmem>> -> memref<1x80xi32, #tpu.memory_space<vmem>>
      %dma_start3A_262 = tpu.memref_squeeze %dma_start3A_261 : memref<1x80xi32, #tpu.memory_space<vmem>> -> memref<80xi32, #tpu.memory_space<vmem>>
      %dma_start3A_263 = arith.constant 0 : i32
      %dma_start3A_264 = arith.constant 0 : i32
      %dma_start3A_265 = tpu.memref_slice %arg2[%dma_start3A_263, %dma_start3A_264] : memref<10000x128xf32, #tpu.memory_space<hbm>> -> memref<10000x128xf32, #tpu.memory_space<hbm>>
      tpu.enqueue_indirect_dma source(%dma_start3A_265 : memref<10000x128xf32, #tpu.memory_space<hbm>>) target(%arg9 : memref<80x128xf32, #tpu.memory_space<vmem>>) offsets(%dma_start3A_262 : memref<80xi32, #tpu.memory_space<vmem>>) semaphore(%arg12 : memref<!tpu.dma_semaphore, #tpu.memory_space<semaphore_mem>>)
      %scan3A_266 = arith.constant 0 : i32
      %scan3A_267 = arith.constant 24 : i32
      %scan3A_268 = arith.addi %scan3A_266, %scan3A_267 : i32
      %scan3A_269 = arith.constant 1 : i32
      scf.for %scan3A_312 = %scan3A_266 to %scan3A_268 step %scan3A_269  : i32 {
        %mul3A_313 = arith.constant 1 : i32
        %mul3A_314 = arith.muli %scan3A_312, %mul3A_313 : i32
        %add3A_315 = arith.constant 0 : i32
        %add3A_316 = arith.addi %add3A_315, %mul3A_314 : i32
        %mul3A_317 = arith.constant 2 : i32
        %mul3A_318 = arith.muli %mul3A_317, %add3A_316 : i32
        %add3A_319 = arith.constant 1 : i32
        %add3A_320 = arith.addi %mul3A_318, %add3A_319 : i32
        %dma_start3A_321 = arith.constant 0 : i32
        %dma_start3A_322 = tpu.memref_slice %arg7[%add3A_320, %dma_start3A_321] : memref<50x80xi32, #tpu.memory_space<vmem>> -> memref<1x80xi32, #tpu.memory_space<vmem>>
        %dma_start3A_323 = tpu.memref_squeeze %dma_start3A_322 : memref<1x80xi32, #tpu.memory_space<vmem>> -> memref<80xi32, #tpu.memory_space<vmem>>
        %dma_start3A_324 = arith.constant 0 : i32
        %dma_start3A_325 = arith.constant 0 : i32
        %dma_start3A_326 = tpu.memref_slice %arg2[%dma_start3A_324, %dma_start3A_325] : memref<10000x128xf32, #tpu.memory_space<hbm>> -> memref<10000x128xf32, #tpu.memory_space<hbm>>
        tpu.enqueue_indirect_dma source(%dma_start3A_326 : memref<10000x128xf32, #tpu.memory_space<hbm>>) target(%arg10 : memref<80x128xf32, #tpu.memory_space<vmem>>) offsets(%dma_start3A_323 : memref<80xi32, #tpu.memory_space<vmem>>) semaphore(%arg13 : memref<!tpu.dma_semaphore, #tpu.memory_space<semaphore_mem>>)
        %dma_wait3A_327 = arith.constant 0 : i32
        %dma_wait3A_328 = arith.constant 0 : i32
        %dma_wait3A_329 = tpu.memref_slice %arg7[%dma_wait3A_327, %dma_wait3A_328] : memref<50x80xi32, #tpu.memory_space<vmem>> -> memref<1x80xi32, #tpu.memory_space<vmem>>
        %dma_wait3A_330 = tpu.memref_squeeze %dma_wait3A_329 : memref<1x80xi32, #tpu.memory_space<vmem>> -> memref<80xi32, #tpu.memory_space<vmem>>
        %dma_wait3A_331 = arith.constant 0 : i32
        %dma_wait3A_332 = arith.constant 0 : i32
        %dma_wait3A_333 = tpu.memref_slice %arg2[%dma_wait3A_331, %dma_wait3A_332] : memref<10000x128xf32, #tpu.memory_space<hbm>> -> memref<10000x128xf32, #tpu.memory_space<hbm>>
        tpu.wait_indirect_dma semaphore(%arg12 : memref<!tpu.dma_semaphore, #tpu.memory_space<semaphore_mem>>) src(%dma_wait3A_333 : memref<10000x128xf32, #tpu.memory_space<hbm>>) dst(%arg9 : memref<80x128xf32, #tpu.memory_space<vmem>>)
        "tpu.region"() ({
          %run_scoped3A_351 = tpu.sem_alloc : memref<!tpu.dma_semaphore, #tpu.memory_space<semaphore_mem>>
          %dma_start3A_352 = arith.constant 0 : i32
          %dma_start3A_353 = tpu.memref_slice %arg8[%mul3A_318, %dma_start3A_352] : memref<50x80xi32, #tpu.memory_space<vmem>> -> memref<1x80xi32, #tpu.memory_space<vmem>>
          %dma_start3A_354 = tpu.memref_squeeze %dma_start3A_353 : memref<1x80xi32, #tpu.memory_space<vmem>> -> memref<80xi32, #tpu.memory_space<vmem>>
          %dma_start3A_355 = arith.constant 0 : i32
          %dma_start3A_356 = arith.constant 0 : i32
          %dma_start3A_357 = tpu.memref_slice %arg11[%dma_start3A_355, %dma_start3A_356] : memref<10240x128xf32, #tpu.memory_space<vmem_shared>> -> memref<10240x128xf32, #tpu.memory_space<vmem_shared>>
          tpu.enqueue_indirect_dma source(%arg9 : memref<80x128xf32, #tpu.memory_space<vmem>>) target(%dma_start3A_357 : memref<10240x128xf32, #tpu.memory_space<vmem_shared>>) offsets(%dma_start3A_354 : memref<80xi32, #tpu.memory_space<vmem>>) semaphore(%run_scoped3A_351 : memref<!tpu.dma_semaphore, #tpu.memory_space<semaphore_mem>>) {add = true}
          %dma_wait3A_358 = arith.constant 0 : i32
          %dma_wait3A_359 = tpu.memref_slice %arg8[%mul3A_318, %dma_wait3A_358] : memref<50x80xi32, #tpu.memory_space<vmem>> -> memref<1x80xi32, #tpu.memory_space<vmem>>
          %dma_wait3A_360 = tpu.memref_squeeze %dma_wait3A_359 : memref<1x80xi32, #tpu.memory_space<vmem>> -> memref<80xi32, #tpu.memory_space<vmem>>
          %dma_wait3A_361 = arith.constant 0 : i32
          %dma_wait3A_362 = arith.constant 0 : i32
          %dma_wait3A_363 = tpu.memref_slice %arg11[%dma_wait3A_361, %dma_wait3A_362] : memref<10240x128xf32, #tpu.memory_space<vmem_shared>> -> memref<10240x128xf32, #tpu.memory_space<vmem_shared>>
          tpu.wait_indirect_dma semaphore(%run_scoped3A_351 : memref<!tpu.dma_semaphore, #tpu.memory_space<semaphore_mem>>) src(%arg9 : memref<80x128xf32, #tpu.memory_space<vmem>>) dst(%dma_wait3A_363 : memref<10240x128xf32, #tpu.memory_space<vmem_shared>>)
          tpu.yield
        }) : () -> ()
        %add3A_334 = arith.constant 2 : i32
        %add3A_335 = arith.addi %mul3A_318, %add3A_334 : i32
        %dma_start3A_336 = arith.constant 0 : i32
        %dma_start3A_337 = tpu.memref_slice %arg7[%add3A_335, %dma_start3A_336] : memref<50x80xi32, #tpu.memory_space<vmem>> -> memref<1x80xi32, #tpu.memory_space<vmem>>
        %dma_start3A_338 = tpu.memref_squeeze %dma_start3A_337 : memref<1x80xi32, #tpu.memory_space<vmem>> -> memref<80xi32, #tpu.memory_space<vmem>>
        %dma_start3A_339 = arith.constant 0 : i32
        %dma_start3A_340 = arith.constant 0 : i32
        %dma_start3A_341 = tpu.memref_slice %arg2[%dma_start3A_339, %dma_start3A_340] : memref<10000x128xf32, #tpu.memory_space<hbm>> -> memref<10000x128xf32, #tpu.memory_space<hbm>>
        tpu.enqueue_indirect_dma source(%dma_start3A_341 : memref<10000x128xf32, #tpu.memory_space<hbm>>) target(%arg9 : memref<80x128xf32, #tpu.memory_space<vmem>>) offsets(%dma_start3A_338 : memref<80xi32, #tpu.memory_space<vmem>>) semaphore(%arg12 : memref<!tpu.dma_semaphore, #tpu.memory_space<semaphore_mem>>)
        %dma_wait3A_342 = arith.constant 0 : i32
        %dma_wait3A_343 = arith.constant 0 : i32
        %dma_wait3A_344 = tpu.memref_slice %arg7[%dma_wait3A_342, %dma_wait3A_343] : memref<50x80xi32, #tpu.memory_space<vmem>> -> memref<1x80xi32, #tpu.memory_space<vmem>>
        %dma_wait3A_345 = tpu.memref_squeeze %dma_wait3A_344 : memref<1x80xi32, #tpu.memory_space<vmem>> -> memref<80xi32, #tpu.memory_space<vmem>>
        %dma_wait3A_346 = arith.constant 0 : i32
        %dma_wait3A_347 = arith.constant 0 : i32
        %dma_wait3A_348 = tpu.memref_slice %arg2[%dma_wait3A_346, %dma_wait3A_347] : memref<10000x128xf32, #tpu.memory_space<hbm>> -> memref<10000x128xf32, #tpu.memory_space<hbm>>
        tpu.wait_indirect_dma semaphore(%arg13 : memref<!tpu.dma_semaphore, #tpu.memory_space<semaphore_mem>>) src(%dma_wait3A_348 : memref<10000x128xf32, #tpu.memory_space<hbm>>) dst(%arg10 : memref<80x128xf32, #tpu.memory_space<vmem>>)
        %add3A_349 = arith.constant 1 : i32
        %add3A_350 = arith.addi %mul3A_318, %add3A_349 : i32
        "tpu.region"() ({
          %run_scoped3A_351 = tpu.sem_alloc : memref<!tpu.dma_semaphore, #tpu.memory_space<semaphore_mem>>
          %dma_start3A_352 = arith.constant 0 : i32
          %dma_start3A_353 = tpu.memref_slice %arg8[%add3A_350, %dma_start3A_352] : memref<50x80xi32, #tpu.memory_space<vmem>> -> memref<1x80xi32, #tpu.memory_space<vmem>>
          %dma_start3A_354 = tpu.memref_squeeze %dma_start3A_353 : memref<1x80xi32, #tpu.memory_space<vmem>> -> memref<80xi32, #tpu.memory_space<vmem>>
          %dma_start3A_355 = arith.constant 0 : i32
          %dma_start3A_356 = arith.constant 0 : i32
          %dma_start3A_357 = tpu.memref_slice %arg11[%dma_start3A_355, %dma_start3A_356] : memref<10240x128xf32, #tpu.memory_space<vmem_shared>> -> memref<10240x128xf32, #tpu.memory_space<vmem_shared>>
          tpu.enqueue_indirect_dma source(%arg10 : memref<80x128xf32, #tpu.memory_space<vmem>>) target(%dma_start3A_357 : memref<10240x128xf32, #tpu.memory_space<vmem_shared>>) offsets(%dma_start3A_354 : memref<80xi32, #tpu.memory_space<vmem>>) semaphore(%run_scoped3A_351 : memref<!tpu.dma_semaphore, #tpu.memory_space<semaphore_mem>>) {add = true}
          %dma_wait3A_358 = arith.constant 0 : i32
          %dma_wait3A_359 = tpu.memref_slice %arg8[%add3A_350, %dma_wait3A_358] : memref<50x80xi32, #tpu.memory_space<vmem>> -> memref<1x80xi32, #tpu.memory_space<vmem>>
          %dma_wait3A_360 = tpu.memref_squeeze %dma_wait3A_359 : memref<1x80xi32, #tpu.memory_space<vmem>> -> memref<80xi32, #tpu.memory_space<vmem>>
          %dma_wait3A_361 = arith.constant 0 : i32
          %dma_wait3A_362 = arith.constant 0 : i32
          %dma_wait3A_363 = tpu.memref_slice %arg11[%dma_wait3A_361, %dma_wait3A_362] : memref<10240x128xf32, #tpu.memory_space<vmem_shared>> -> memref<10240x128xf32, #tpu.memory_space<vmem_shared>>
          tpu.wait_indirect_dma semaphore(%run_scoped3A_351 : memref<!tpu.dma_semaphore, #tpu.memory_space<semaphore_mem>>) src(%arg10 : memref<80x128xf32, #tpu.memory_space<vmem>>) dst(%dma_wait3A_363 : memref<10240x128xf32, #tpu.memory_space<vmem_shared>>)
          tpu.yield
        }) : () -> ()
      }
      %scan3A_270 = arith.constant 24 : i32
      %dma_start3A_271 = arith.constant 49 : i32
      %dma_start3A_272 = arith.constant 0 : i32
      %dma_start3A_273 = tpu.memref_slice %arg7[%dma_start3A_271, %dma_start3A_272] : memref<50x80xi32, #tpu.memory_space<vmem>> -> memref<1x80xi32, #tpu.memory_space<vmem>>
      %dma_start3A_274 = tpu.memref_squeeze %dma_start3A_273 : memref<1x80xi32, #tpu.memory_space<vmem>> -> memref<80xi32, #tpu.memory_space<vmem>>
      %dma_start3A_275 = arith.constant 0 : i32
      %dma_start3A_276 = arith.constant 0 : i32
      %dma_start3A_277 = tpu.memref_slice %arg2[%dma_start3A_275, %dma_start3A_276] : memref<10000x128xf32, #tpu.memory_space<hbm>> -> memref<10000x128xf32, #tpu.memory_space<hbm>>
      tpu.enqueue_indirect_dma source(%dma_start3A_277 : memref<10000x128xf32, #tpu.memory_space<hbm>>) target(%arg10 : memref<80x128xf32, #tpu.memory_space<vmem>>) offsets(%dma_start3A_274 : memref<80xi32, #tpu.memory_space<vmem>>) semaphore(%arg13 : memref<!tpu.dma_semaphore, #tpu.memory_space<semaphore_mem>>)
      %dma_wait3A_278 = arith.constant 0 : i32
      %dma_wait3A_279 = arith.constant 0 : i32
      %dma_wait3A_280 = tpu.memref_slice %arg7[%dma_wait3A_278, %dma_wait3A_279] : memref<50x80xi32, #tpu.memory_space<vmem>> -> memref<1x80xi32, #tpu.memory_space<vmem>>
      %dma_wait3A_281 = tpu.memref_squeeze %dma_wait3A_280 : memref<1x80xi32, #tpu.memory_space<vmem>> -> memref<80xi32, #tpu.memory_space<vmem>>
      %dma_wait3A_282 = arith.constant 0 : i32
      %dma_wait3A_283 = arith.constant 0 : i32
      %dma_wait3A_284 = tpu.memref_slice %arg2[%dma_wait3A_282, %dma_wait3A_283] : memref<10000x128xf32, #tpu.memory_space<hbm>> -> memref<10000x128xf32, #tpu.memory_space<hbm>>
      tpu.wait_indirect_dma semaphore(%arg12 : memref<!tpu.dma_semaphore, #tpu.memory_space<semaphore_mem>>) src(%dma_wait3A_284 : memref<10000x128xf32, #tpu.memory_space<hbm>>) dst(%arg9 : memref<80x128xf32, #tpu.memory_space<vmem>>)
      %run_scoped3A_285 = arith.constant 48 : i32
      "tpu.region"() ({
        %run_scoped3A_312 = tpu.sem_alloc : memref<!tpu.dma_semaphore, #tpu.memory_space<semaphore_mem>>
        %dma_start3A_313 = arith.constant 0 : i32
        %dma_start3A_314 = tpu.memref_slice %arg8[%run_scoped3A_285, %dma_start3A_313] : memref<50x80xi32, #tpu.memory_space<vmem>> -> memref<1x80xi32, #tpu.memory_space<vmem>>
        %dma_start3A_315 = tpu.memref_squeeze %dma_start3A_314 : memref<1x80xi32, #tpu.memory_space<vmem>> -> memref<80xi32, #tpu.memory_space<vmem>>
        %dma_start3A_316 = arith.constant 0 : i32
        %dma_start3A_317 = arith.constant 0 : i32
        %dma_start3A_318 = tpu.memref_slice %arg11[%dma_start3A_316, %dma_start3A_317] : memref<10240x128xf32, #tpu.memory_space<vmem_shared>> -> memref<10240x128xf32, #tpu.memory_space<vmem_shared>>
        tpu.enqueue_indirect_dma source(%arg9 : memref<80x128xf32, #tpu.memory_space<vmem>>) target(%dma_start3A_318 : memref<10240x128xf32, #tpu.memory_space<vmem_shared>>) offsets(%dma_start3A_315 : memref<80xi32, #tpu.memory_space<vmem>>) semaphore(%run_scoped3A_312 : memref<!tpu.dma_semaphore, #tpu.memory_space<semaphore_mem>>) {add = true}
        %dma_wait3A_319 = arith.constant 0 : i32
        %dma_wait3A_320 = tpu.memref_slice %arg8[%run_scoped3A_285, %dma_wait3A_319] : memref<50x80xi32, #tpu.memory_space<vmem>> -> memref<1x80xi32, #tpu.memory_space<vmem>>
        %dma_wait3A_321 = tpu.memref_squeeze %dma_wait3A_320 : memref<1x80xi32, #tpu.memory_space<vmem>> -> memref<80xi32, #tpu.memory_space<vmem>>
        %dma_wait3A_322 = arith.constant 0 : i32
        %dma_wait3A_323 = arith.constant 0 : i32
        %dma_wait3A_324 = tpu.memref_slice %arg11[%dma_wait3A_322, %dma_wait3A_323] : memref<10240x128xf32, #tpu.memory_space<vmem_shared>> -> memref<10240x128xf32, #tpu.memory_space<vmem_shared>>
        tpu.wait_indirect_dma semaphore(%run_scoped3A_312 : memref<!tpu.dma_semaphore, #tpu.memory_space<semaphore_mem>>) src(%arg9 : memref<80x128xf32, #tpu.memory_space<vmem>>) dst(%dma_wait3A_324 : memref<10240x128xf32, #tpu.memory_space<vmem_shared>>)
        tpu.yield
      }) : () -> ()
      %dma_wait3A_286 = arith.constant 0 : i32
      %dma_wait3A_287 = arith.constant 0 : i32
      %dma_wait3A_288 = tpu.memref_slice %arg7[%dma_wait3A_286, %dma_wait3A_287] : memref<50x80xi32, #tpu.memory_space<vmem>> -> memref<1x80xi32, #tpu.memory_space<vmem>>
      %dma_wait3A_289 = tpu.memref_squeeze %dma_wait3A_288 : memref<1x80xi32, #tpu.memory_space<vmem>> -> memref<80xi32, #tpu.memory_space<vmem>>
      %dma_wait3A_290 = arith.constant 0 : i32
      %dma_wait3A_291 = arith.constant 0 : i32
      %dma_wait3A_292 = tpu.memref_slice %arg2[%dma_wait3A_290, %dma_wait3A_291] : memref<10000x128xf32, #tpu.memory_space<hbm>> -> memref<10000x128xf32, #tpu.memory_space<hbm>>
      tpu.wait_indirect_dma semaphore(%arg13 : memref<!tpu.dma_semaphore, #tpu.memory_space<semaphore_mem>>) src(%dma_wait3A_292 : memref<10000x128xf32, #tpu.memory_space<hbm>>) dst(%arg10 : memref<80x128xf32, #tpu.memory_space<vmem>>)
      %run_scoped3A_293 = arith.constant 49 : i32
      "tpu.region"() ({
        %run_scoped3A_312 = tpu.sem_alloc : memref<!tpu.dma_semaphore, #tpu.memory_space<semaphore_mem>>
        %dma_start3A_313 = arith.constant 0 : i32
        %dma_start3A_314 = tpu.memref_slice %arg8[%run_scoped3A_293, %dma_start3A_313] : memref<50x80xi32, #tpu.memory_space<vmem>> -> memref<1x80xi32, #tpu.memory_space<vmem>>
        %dma_start3A_315 = tpu.memref_squeeze %dma_start3A_314 : memref<1x80xi32, #tpu.memory_space<vmem>> -> memref<80xi32, #tpu.memory_space<vmem>>
        %dma_start3A_316 = arith.constant 0 : i32
        %dma_start3A_317 = arith.constant 0 : i32
        %dma_start3A_318 = tpu.memref_slice %arg11[%dma_start3A_316, %dma_start3A_317] : memref<10240x128xf32, #tpu.memory_space<vmem_shared>> -> memref<10240x128xf32, #tpu.memory_space<vmem_shared>>
        tpu.enqueue_indirect_dma source(%arg10 : memref<80x128xf32, #tpu.memory_space<vmem>>) target(%dma_start3A_318 : memref<10240x128xf32, #tpu.memory_space<vmem_shared>>) offsets(%dma_start3A_315 : memref<80xi32, #tpu.memory_space<vmem>>) semaphore(%run_scoped3A_312 : memref<!tpu.dma_semaphore, #tpu.memory_space<semaphore_mem>>) {add = true}
        %dma_wait3A_319 = arith.constant 0 : i32
        %dma_wait3A_320 = tpu.memref_slice %arg8[%run_scoped3A_293, %dma_wait3A_319] : memref<50x80xi32, #tpu.memory_space<vmem>> -> memref<1x80xi32, #tpu.memory_space<vmem>>
        %dma_wait3A_321 = tpu.memref_squeeze %dma_wait3A_320 : memref<1x80xi32, #tpu.memory_space<vmem>> -> memref<80xi32, #tpu.memory_space<vmem>>
        %dma_wait3A_322 = arith.constant 0 : i32
        %dma_wait3A_323 = arith.constant 0 : i32
        %dma_wait3A_324 = tpu.memref_slice %arg11[%dma_wait3A_322, %dma_wait3A_323] : memref<10240x128xf32, #tpu.memory_space<vmem_shared>> -> memref<10240x128xf32, #tpu.memory_space<vmem_shared>>
        tpu.wait_indirect_dma semaphore(%run_scoped3A_312 : memref<!tpu.dma_semaphore, #tpu.memory_space<semaphore_mem>>) src(%arg10 : memref<80x128xf32, #tpu.memory_space<vmem>>) dst(%dma_wait3A_324 : memref<10240x128xf32, #tpu.memory_space<vmem_shared>>)
        tpu.yield
      }) : () -> ()
      %dma_wait3A_294 = arith.constant 0 : i32
      %dma_wait3A_295 = arith.constant 0 : i32
      %dma_wait3A_296 = arith.constant 0 : i32
      %dma_wait3A_297 = tpu.memref_slice %arg3[%arg0, %arg1, %dma_wait3A_294, %dma_wait3A_295, %dma_wait3A_296] : memref<2x16x5x50x80xi32, #tpu.memory_space<hbm>> -> memref<1x1x1x50x80xi32, #tpu.memory_space<hbm>>
      %dma_wait3A_298 = tpu.memref_squeeze %dma_wait3A_297 : memref<1x1x1x50x80xi32, #tpu.memory_space<hbm>> -> memref<50x80xi32, #tpu.memory_space<hbm>>
      %dma_wait3A_299 = arith.constant 0 : i32
      %dma_wait3A_300 = arith.constant 0 : i32
      %dma_wait3A_301 = tpu.memref_slice %arg3[%arg0, %arg1, %dma_wait3A_294, %dma_wait3A_299, %dma_wait3A_300] : memref<2x16x5x50x80xi32, #tpu.memory_space<hbm>> -> memref<1x1x1x50x80xi32, #tpu.memory_space<hbm>>
      %dma_wait3A_302 = tpu.memref_squeeze %dma_wait3A_301 : memref<1x1x1x50x80xi32, #tpu.memory_space<hbm>> -> memref<50x80xi32, #tpu.memory_space<hbm>>
      tpu.wait_dma2 semaphore(%arg14 : memref<!tpu.dma_semaphore, #tpu.memory_space<semaphore_mem>>) src(%dma_wait3A_302 : memref<50x80xi32, #tpu.memory_space<hbm>>) dst(%arg5 : memref<50x80xi32, #tpu.memory_space<vmem>>)
      %dma_wait3A_303 = arith.constant 0 : i32
      %dma_wait3A_304 = arith.constant 0 : i32
      %dma_wait3A_305 = arith.constant 0 : i32
      %dma_wait3A_306 = tpu.memref_slice %arg3[%arg0, %arg1, %dma_wait3A_303, %dma_wait3A_304, %dma_wait3A_305] : memref<2x16x5x50x80xi32, #tpu.memory_space<hbm>> -> memref<1x1x1x50x80xi32, #tpu.memory_space<hbm>>
      %dma_wait3A_307 = tpu.memref_squeeze %dma_wait3A_306 : memref<1x1x1x50x80xi32, #tpu.memory_space<hbm>> -> memref<50x80xi32, #tpu.memory_space<hbm>>
      %dma_wait3A_308 = arith.constant 0 : i32
      %dma_wait3A_309 = arith.constant 0 : i32
      %dma_wait3A_310 = tpu.memref_slice %arg3[%arg0, %arg1, %dma_wait3A_303, %dma_wait3A_308, %dma_wait3A_309] : memref<2x16x5x50x80xi32, #tpu.memory_space<hbm>> -> memref<1x1x1x50x80xi32, #tpu.memory_space<hbm>>
      %dma_wait3A_311 = tpu.memref_squeeze %dma_wait3A_310 : memref<1x1x1x50x80xi32, #tpu.memory_space<hbm>> -> memref<50x80xi32, #tpu.memory_space<hbm>>
      tpu.wait_dma2 semaphore(%arg14 : memref<!tpu.dma_semaphore, #tpu.memory_space<semaphore_mem>>) src(%dma_wait3A_311 : memref<50x80xi32, #tpu.memory_space<hbm>>) dst(%arg6 : memref<50x80xi32, #tpu.memory_space<vmem>>)
    }
    %scan3A_123 = arith.constant 2 : i32
    %dma_start3A_124 = arith.constant 0 : i32
    %dma_start3A_125 = arith.constant 0 : i32
    %dma_start3A_126 = tpu.memref_slice %arg5[%dma_start3A_124, %dma_start3A_125] : memref<50x80xi32, #tpu.memory_space<vmem>> -> memref<1x80xi32, #tpu.memory_space<vmem>>
    %dma_start3A_127 = tpu.memref_squeeze %dma_start3A_126 : memref<1x80xi32, #tpu.memory_space<vmem>> -> memref<80xi32, #tpu.memory_space<vmem>>
    %dma_start3A_128 = arith.constant 0 : i32
    %dma_start3A_129 = arith.constant 0 : i32
    %dma_start3A_130 = tpu.memref_slice %arg2[%dma_start3A_128, %dma_start3A_129] : memref<10000x128xf32, #tpu.memory_space<hbm>> -> memref<10000x128xf32, #tpu.memory_space<hbm>>
    tpu.enqueue_indirect_dma source(%dma_start3A_130 : memref<10000x128xf32, #tpu.memory_space<hbm>>) target(%arg9 : memref<80x128xf32, #tpu.memory_space<vmem>>) offsets(%dma_start3A_127 : memref<80xi32, #tpu.memory_space<vmem>>) semaphore(%arg12 : memref<!tpu.dma_semaphore, #tpu.memory_space<semaphore_mem>>)
    %scan3A_131 = arith.constant 0 : i32
    %scan3A_132 = arith.constant 24 : i32
    %scan3A_133 = arith.addi %scan3A_131, %scan3A_132 : i32
    %scan3A_134 = arith.constant 1 : i32
    scf.for %scan3A_159 = %scan3A_131 to %scan3A_133 step %scan3A_134  : i32 {
      %mul3A_160 = arith.constant 1 : i32
      %mul3A_161 = arith.muli %scan3A_159, %mul3A_160 : i32
      %add3A_162 = arith.constant 0 : i32
      %add3A_163 = arith.addi %add3A_162, %mul3A_161 : i32
      %mul3A_164 = arith.constant 2 : i32
      %mul3A_165 = arith.muli %mul3A_164, %add3A_163 : i32
      %add3A_166 = arith.constant 1 : i32
      %add3A_167 = arith.addi %mul3A_165, %add3A_166 : i32
      %dma_start3A_168 = arith.constant 0 : i32
      %dma_start3A_169 = tpu.memref_slice %arg5[%add3A_167, %dma_start3A_168] : memref<50x80xi32, #tpu.memory_space<vmem>> -> memref<1x80xi32, #tpu.memory_space<vmem>>
      %dma_start3A_170 = tpu.memref_squeeze %dma_start3A_169 : memref<1x80xi32, #tpu.memory_space<vmem>> -> memref<80xi32, #tpu.memory_space<vmem>>
      %dma_start3A_171 = arith.constant 0 : i32
      %dma_start3A_172 = arith.constant 0 : i32
      %dma_start3A_173 = tpu.memref_slice %arg2[%dma_start3A_171, %dma_start3A_172] : memref<10000x128xf32, #tpu.memory_space<hbm>> -> memref<10000x128xf32, #tpu.memory_space<hbm>>
      tpu.enqueue_indirect_dma source(%dma_start3A_173 : memref<10000x128xf32, #tpu.memory_space<hbm>>) target(%arg10 : memref<80x128xf32, #tpu.memory_space<vmem>>) offsets(%dma_start3A_170 : memref<80xi32, #tpu.memory_space<vmem>>) semaphore(%arg13 : memref<!tpu.dma_semaphore, #tpu.memory_space<semaphore_mem>>)
      %dma_wait3A_174 = arith.constant 0 : i32
      %dma_wait3A_175 = arith.constant 0 : i32
      %dma_wait3A_176 = tpu.memref_slice %arg5[%dma_wait3A_174, %dma_wait3A_175] : memref<50x80xi32, #tpu.memory_space<vmem>> -> memref<1x80xi32, #tpu.memory_space<vmem>>
      %dma_wait3A_177 = tpu.memref_squeeze %dma_wait3A_176 : memref<1x80xi32, #tpu.memory_space<vmem>> -> memref<80xi32, #tpu.memory_space<vmem>>
      %dma_wait3A_178 = arith.constant 0 : i32
      %dma_wait3A_179 = arith.constant 0 : i32
      %dma_wait3A_180 = tpu.memref_slice %arg2[%dma_wait3A_178, %dma_wait3A_179] : memref<10000x128xf32, #tpu.memory_space<hbm>> -> memref<10000x128xf32, #tpu.memory_space<hbm>>
      tpu.wait_indirect_dma semaphore(%arg12 : memref<!tpu.dma_semaphore, #tpu.memory_space<semaphore_mem>>) src(%dma_wait3A_180 : memref<10000x128xf32, #tpu.memory_space<hbm>>) dst(%arg9 : memref<80x128xf32, #tpu.memory_space<vmem>>)
      "tpu.region"() ({
        %run_scoped3A_198 = tpu.sem_alloc : memref<!tpu.dma_semaphore, #tpu.memory_space<semaphore_mem>>
        %dma_start3A_199 = arith.constant 0 : i32
        %dma_start3A_200 = tpu.memref_slice %arg6[%mul3A_165, %dma_start3A_199] : memref<50x80xi32, #tpu.memory_space<vmem>> -> memref<1x80xi32, #tpu.memory_space<vmem>>
        %dma_start3A_201 = tpu.memref_squeeze %dma_start3A_200 : memref<1x80xi32, #tpu.memory_space<vmem>> -> memref<80xi32, #tpu.memory_space<vmem>>
        %dma_start3A_202 = arith.constant 0 : i32
        %dma_start3A_203 = arith.constant 0 : i32
        %dma_start3A_204 = tpu.memref_slice %arg11[%dma_start3A_202, %dma_start3A_203] : memref<10240x128xf32, #tpu.memory_space<vmem_shared>> -> memref<10240x128xf32, #tpu.memory_space<vmem_shared>>
        tpu.enqueue_indirect_dma source(%arg9 : memref<80x128xf32, #tpu.memory_space<vmem>>) target(%dma_start3A_204 : memref<10240x128xf32, #tpu.memory_space<vmem_shared>>) offsets(%dma_start3A_201 : memref<80xi32, #tpu.memory_space<vmem>>) semaphore(%run_scoped3A_198 : memref<!tpu.dma_semaphore, #tpu.memory_space<semaphore_mem>>) {add = true}
        %dma_wait3A_205 = arith.constant 0 : i32
        %dma_wait3A_206 = tpu.memref_slice %arg6[%mul3A_165, %dma_wait3A_205] : memref<50x80xi32, #tpu.memory_space<vmem>> -> memref<1x80xi32, #tpu.memory_space<vmem>>
        %dma_wait3A_207 = tpu.memref_squeeze %dma_wait3A_206 : memref<1x80xi32, #tpu.memory_space<vmem>> -> memref<80xi32, #tpu.memory_space<vmem>>
        %dma_wait3A_208 = arith.constant 0 : i32
        %dma_wait3A_209 = arith.constant 0 : i32
        %dma_wait3A_210 = tpu.memref_slice %arg11[%dma_wait3A_208, %dma_wait3A_209] : memref<10240x128xf32, #tpu.memory_space<vmem_shared>> -> memref<10240x128xf32, #tpu.memory_space<vmem_shared>>
        tpu.wait_indirect_dma semaphore(%run_scoped3A_198 : memref<!tpu.dma_semaphore, #tpu.memory_space<semaphore_mem>>) src(%arg9 : memref<80x128xf32, #tpu.memory_space<vmem>>) dst(%dma_wait3A_210 : memref<10240x128xf32, #tpu.memory_space<vmem_shared>>)
        tpu.yield
      }) : () -> ()
      %add3A_181 = arith.constant 2 : i32
      %add3A_182 = arith.addi %mul3A_165, %add3A_181 : i32
      %dma_start3A_183 = arith.constant 0 : i32
      %dma_start3A_184 = tpu.memref_slice %arg5[%add3A_182, %dma_start3A_183] : memref<50x80xi32, #tpu.memory_space<vmem>> -> memref<1x80xi32, #tpu.memory_space<vmem>>
      %dma_start3A_185 = tpu.memref_squeeze %dma_start3A_184 : memref<1x80xi32, #tpu.memory_space<vmem>> -> memref<80xi32, #tpu.memory_space<vmem>>
      %dma_start3A_186 = arith.constant 0 : i32
      %dma_start3A_187 = arith.constant 0 : i32
      %dma_start3A_188 = tpu.memref_slice %arg2[%dma_start3A_186, %dma_start3A_187] : memref<10000x128xf32, #tpu.memory_space<hbm>> -> memref<10000x128xf32, #tpu.memory_space<hbm>>
      tpu.enqueue_indirect_dma source(%dma_start3A_188 : memref<10000x128xf32, #tpu.memory_space<hbm>>) target(%arg9 : memref<80x128xf32, #tpu.memory_space<vmem>>) offsets(%dma_start3A_185 : memref<80xi32, #tpu.memory_space<vmem>>) semaphore(%arg12 : memref<!tpu.dma_semaphore, #tpu.memory_space<semaphore_mem>>)
      %dma_wait3A_189 = arith.constant 0 : i32
      %dma_wait3A_190 = arith.constant 0 : i32
      %dma_wait3A_191 = tpu.memref_slice %arg5[%dma_wait3A_189, %dma_wait3A_190] : memref<50x80xi32, #tpu.memory_space<vmem>> -> memref<1x80xi32, #tpu.memory_space<vmem>>
      %dma_wait3A_192 = tpu.memref_squeeze %dma_wait3A_191 : memref<1x80xi32, #tpu.memory_space<vmem>> -> memref<80xi32, #tpu.memory_space<vmem>>
      %dma_wait3A_193 = arith.constant 0 : i32
      %dma_wait3A_194 = arith.constant 0 : i32
      %dma_wait3A_195 = tpu.memref_slice %arg2[%dma_wait3A_193, %dma_wait3A_194] : memref<10000x128xf32, #tpu.memory_space<hbm>> -> memref<10000x128xf32, #tpu.memory_space<hbm>>
      tpu.wait_indirect_dma semaphore(%arg13 : memref<!tpu.dma_semaphore, #tpu.memory_space<semaphore_mem>>) src(%dma_wait3A_195 : memref<10000x128xf32, #tpu.memory_space<hbm>>) dst(%arg10 : memref<80x128xf32, #tpu.memory_space<vmem>>)
      %add3A_196 = arith.constant 1 : i32
      %add3A_197 = arith.addi %mul3A_165, %add3A_196 : i32
      "tpu.region"() ({
        %run_scoped3A_198 = tpu.sem_alloc : memref<!tpu.dma_semaphore, #tpu.memory_space<semaphore_mem>>
        %dma_start3A_199 = arith.constant 0 : i32
        %dma_start3A_200 = tpu.memref_slice %arg6[%add3A_197, %dma_start3A_199] : memref<50x80xi32, #tpu.memory_space<vmem>> -> memref<1x80xi32, #tpu.memory_space<vmem>>
        %dma_start3A_201 = tpu.memref_squeeze %dma_start3A_200 : memref<1x80xi32, #tpu.memory_space<vmem>> -> memref<80xi32, #tpu.memory_space<vmem>>
        %dma_start3A_202 = arith.constant 0 : i32
        %dma_start3A_203 = arith.constant 0 : i32
        %dma_start3A_204 = tpu.memref_slice %arg11[%dma_start3A_202, %dma_start3A_203] : memref<10240x128xf32, #tpu.memory_space<vmem_shared>> -> memref<10240x128xf32, #tpu.memory_space<vmem_shared>>
        tpu.enqueue_indirect_dma source(%arg10 : memref<80x128xf32, #tpu.memory_space<vmem>>) target(%dma_start3A_204 : memref<10240x128xf32, #tpu.memory_space<vmem_shared>>) offsets(%dma_start3A_201 : memref<80xi32, #tpu.memory_space<vmem>>) semaphore(%run_scoped3A_198 : memref<!tpu.dma_semaphore, #tpu.memory_space<semaphore_mem>>) {add = true}
        %dma_wait3A_205 = arith.constant 0 : i32
        %dma_wait3A_206 = tpu.memref_slice %arg6[%add3A_197, %dma_wait3A_205] : memref<50x80xi32, #tpu.memory_space<vmem>> -> memref<1x80xi32, #tpu.memory_space<vmem>>
        %dma_wait3A_207 = tpu.memref_squeeze %dma_wait3A_206 : memref<1x80xi32, #tpu.memory_space<vmem>> -> memref<80xi32, #tpu.memory_space<vmem>>
        %dma_wait3A_208 = arith.constant 0 : i32
        %dma_wait3A_209 = arith.constant 0 : i32
        %dma_wait3A_210 = tpu.memref_slice %arg11[%dma_wait3A_208, %dma_wait3A_209] : memref<10240x128xf32, #tpu.memory_space<vmem_shared>> -> memref<10240x128xf32, #tpu.memory_space<vmem_shared>>
        tpu.wait_indirect_dma semaphore(%run_scoped3A_198 : memref<!tpu.dma_semaphore, #tpu.memory_space<semaphore_mem>>) src(%arg10 : memref<80x128xf32, #tpu.memory_space<vmem>>) dst(%dma_wait3A_210 : memref<10240x128xf32, #tpu.memory_space<vmem_shared>>)
        tpu.yield
      }) : () -> ()
    }
    %scan3A_135 = arith.constant 24 : i32
    %dma_start3A_136 = arith.constant 49 : i32
    %dma_start3A_137 = arith.constant 0 : i32
    %dma_start3A_138 = tpu.memref_slice %arg5[%dma_start3A_136, %dma_start3A_137] : memref<50x80xi32, #tpu.memory_space<vmem>> -> memref<1x80xi32, #tpu.memory_space<vmem>>
    %dma_start3A_139 = tpu.memref_squeeze %dma_start3A_138 : memref<1x80xi32, #tpu.memory_space<vmem>> -> memref<80xi32, #tpu.memory_space<vmem>>
    %dma_start3A_140 = arith.constant 0 : i32
    %dma_start3A_141 = arith.constant 0 : i32
    %dma_start3A_142 = tpu.memref_slice %arg2[%dma_start3A_140, %dma_start3A_141] : memref<10000x128xf32, #tpu.memory_space<hbm>> -> memref<10000x128xf32, #tpu.memory_space<hbm>>
    tpu.enqueue_indirect_dma source(%dma_start3A_142 : memref<10000x128xf32, #tpu.memory_space<hbm>>) target(%arg10 : memref<80x128xf32, #tpu.memory_space<vmem>>) offsets(%dma_start3A_139 : memref<80xi32, #tpu.memory_space<vmem>>) semaphore(%arg13 : memref<!tpu.dma_semaphore, #tpu.memory_space<semaphore_mem>>)
    %dma_wait3A_143 = arith.constant 0 : i32
    %dma_wait3A_144 = arith.constant 0 : i32
    %dma_wait3A_145 = tpu.memref_slice %arg5[%dma_wait3A_143, %dma_wait3A_144] : memref<50x80xi32, #tpu.memory_space<vmem>> -> memref<1x80xi32, #tpu.memory_space<vmem>>
    %dma_wait3A_146 = tpu.memref_squeeze %dma_wait3A_145 : memref<1x80xi32, #tpu.memory_space<vmem>> -> memref<80xi32, #tpu.memory_space<vmem>>
    %dma_wait3A_147 = arith.constant 0 : i32
    %dma_wait3A_148 = arith.constant 0 : i32
    %dma_wait3A_149 = tpu.memref_slice %arg2[%dma_wait3A_147, %dma_wait3A_148] : memref<10000x128xf32, #tpu.memory_space<hbm>> -> memref<10000x128xf32, #tpu.memory_space<hbm>>
    tpu.wait_indirect_dma semaphore(%arg12 : memref<!tpu.dma_semaphore, #tpu.memory_space<semaphore_mem>>) src(%dma_wait3A_149 : memref<10000x128xf32, #tpu.memory_space<hbm>>) dst(%arg9 : memref<80x128xf32, #tpu.memory_space<vmem>>)
    %run_scoped3A = arith.constant 48 : i32
    "tpu.region"() ({
      %run_scoped3A_159 = tpu.sem_alloc : memref<!tpu.dma_semaphore, #tpu.memory_space<semaphore_mem>>
      %dma_start3A_160 = arith.constant 0 : i32
      %dma_start3A_161 = tpu.memref_slice %arg6[%run_scoped3A, %dma_start3A_160] : memref<50x80xi32, #tpu.memory_space<vmem>> -> memref<1x80xi32, #tpu.memory_space<vmem>>
      %dma_start3A_162 = tpu.memref_squeeze %dma_start3A_161 : memref<1x80xi32, #tpu.memory_space<vmem>> -> memref<80xi32, #tpu.memory_space<vmem>>
      %dma_start3A_163 = arith.constant 0 : i32
      %dma_start3A_164 = arith.constant 0 : i32
      %dma_start3A_165 = tpu.memref_slice %arg11[%dma_start3A_163, %dma_start3A_164] : memref<10240x128xf32, #tpu.memory_space<vmem_shared>> -> memref<10240x128xf32, #tpu.memory_space<vmem_shared>>
      tpu.enqueue_indirect_dma source(%arg9 : memref<80x128xf32, #tpu.memory_space<vmem>>) target(%dma_start3A_165 : memref<10240x128xf32, #tpu.memory_space<vmem_shared>>) offsets(%dma_start3A_162 : memref<80xi32, #tpu.memory_space<vmem>>) semaphore(%run_scoped3A_159 : memref<!tpu.dma_semaphore, #tpu.memory_space<semaphore_mem>>) {add = true}
      %dma_wait3A_166 = arith.constant 0 : i32
      %dma_wait3A_167 = tpu.memref_slice %arg6[%run_scoped3A, %dma_wait3A_166] : memref<50x80xi32, #tpu.memory_space<vmem>> -> memref<1x80xi32, #tpu.memory_space<vmem>>
      %dma_wait3A_168 = tpu.memref_squeeze %dma_wait3A_167 : memref<1x80xi32, #tpu.memory_space<vmem>> -> memref<80xi32, #tpu.memory_space<vmem>>
      %dma_wait3A_169 = arith.constant 0 : i32
      %dma_wait3A_170 = arith.constant 0 : i32
      %dma_wait3A_171 = tpu.memref_slice %arg11[%dma_wait3A_169, %dma_wait3A_170] : memref<10240x128xf32, #tpu.memory_space<vmem_shared>> -> memref<10240x128xf32, #tpu.memory_space<vmem_shared>>
      tpu.wait_indirect_dma semaphore(%run_scoped3A_159 : memref<!tpu.dma_semaphore, #tpu.memory_space<semaphore_mem>>) src(%arg9 : memref<80x128xf32, #tpu.memory_space<vmem>>) dst(%dma_wait3A_171 : memref<10240x128xf32, #tpu.memory_space<vmem_shared>>)
      tpu.yield
    }) : () -> ()
    %dma_wait3A_150 = arith.constant 0 : i32
    %dma_wait3A_151 = arith.constant 0 : i32
    %dma_wait3A_152 = tpu.memref_slice %arg5[%dma_wait3A_150, %dma_wait3A_151] : memref<50x80xi32, #tpu.memory_space<vmem>> -> memref<1x80xi32, #tpu.memory_space<vmem>>
    %dma_wait3A_153 = tpu.memref_squeeze %dma_wait3A_152 : memref<1x80xi32, #tpu.memory_space<vmem>> -> memref<80xi32, #tpu.memory_space<vmem>>
    %dma_wait3A_154 = arith.constant 0 : i32
    %dma_wait3A_155 = arith.constant 0 : i32
    %dma_wait3A_156 = tpu.memref_slice %arg2[%dma_wait3A_154, %dma_wait3A_155] : memref<10000x128xf32, #tpu.memory_space<hbm>> -> memref<10000x128xf32, #tpu.memory_space<hbm>>
    tpu.wait_indirect_dma semaphore(%arg13 : memref<!tpu.dma_semaphore, #tpu.memory_space<semaphore_mem>>) src(%dma_wait3A_156 : memref<10000x128xf32, #tpu.memory_space<hbm>>) dst(%arg10 : memref<80x128xf32, #tpu.memory_space<vmem>>)
    %run_scoped3A_157 = arith.constant 49 : i32
    "tpu.region"() ({
      %run_scoped3A_159 = tpu.sem_alloc : memref<!tpu.dma_semaphore, #tpu.memory_space<semaphore_mem>>
      %dma_start3A_160 = arith.constant 0 : i32
      %dma_start3A_161 = tpu.memref_slice %arg6[%run_scoped3A_157, %dma_start3A_160] : memref<50x80xi32, #tpu.memory_space<vmem>> -> memref<1x80xi32, #tpu.memory_space<vmem>>
      %dma_start3A_162 = tpu.memref_squeeze %dma_start3A_161 : memref<1x80xi32, #tpu.memory_space<vmem>> -> memref<80xi32, #tpu.memory_space<vmem>>
      %dma_start3A_163 = arith.constant 0 : i32
      %dma_start3A_164 = arith.constant 0 : i32
      %dma_start3A_165 = tpu.memref_slice %arg11[%dma_start3A_163, %dma_start3A_164] : memref<10240x128xf32, #tpu.memory_space<vmem_shared>> -> memref<10240x128xf32, #tpu.memory_space<vmem_shared>>
      tpu.enqueue_indirect_dma source(%arg10 : memref<80x128xf32, #tpu.memory_space<vmem>>) target(%dma_start3A_165 : memref<10240x128xf32, #tpu.memory_space<vmem_shared>>) offsets(%dma_start3A_162 : memref<80xi32, #tpu.memory_space<vmem>>) semaphore(%run_scoped3A_159 : memref<!tpu.dma_semaphore, #tpu.memory_space<semaphore_mem>>) {add = true}
      %dma_wait3A_166 = arith.constant 0 : i32
      %dma_wait3A_167 = tpu.memref_slice %arg6[%run_scoped3A_157, %dma_wait3A_166] : memref<50x80xi32, #tpu.memory_space<vmem>> -> memref<1x80xi32, #tpu.memory_space<vmem>>
      %dma_wait3A_168 = tpu.memref_squeeze %dma_wait3A_167 : memref<1x80xi32, #tpu.memory_space<vmem>> -> memref<80xi32, #tpu.memory_space<vmem>>
      %dma_wait3A_169 = arith.constant 0 : i32
      %dma_wait3A_170 = arith.constant 0 : i32
      %dma_wait3A_171 = tpu.memref_slice %arg11[%dma_wait3A_169, %dma_wait3A_170] : memref<10240x128xf32, #tpu.memory_space<vmem_shared>> -> memref<10240x128xf32, #tpu.memory_space<vmem_shared>>
      tpu.wait_indirect_dma semaphore(%run_scoped3A_159 : memref<!tpu.dma_semaphore, #tpu.memory_space<semaphore_mem>>) src(%arg10 : memref<80x128xf32, #tpu.memory_space<vmem>>) dst(%dma_wait3A_171 : memref<10240x128xf32, #tpu.memory_space<vmem_shared>>)
      tpu.yield
    }) : () -> ()
    %barrier3A_158 = arith.constant 0 : index
    tpu.barrier barrier_id(%barrier3A_158)
    "tpu.region"() ({
      %run_scoped3A_159 = tpu.sem_alloc : memref<!tpu.dma_semaphore, #tpu.memory_space<semaphore_mem>>
      %dma_start3A_160 = arith.constant 0 : i32
      %dma_start3A_161 = tpu.memref_slice %arg4[%arg0, %mul3A_0, %dma_start3A_160] : memref<2x10240x128xf32, #tpu.memory_space<hbm>> -> memref<1x640x128xf32, #tpu.memory_space<hbm>>
      %dma_start3A_162 = tpu.memref_squeeze %dma_start3A_161 : memref<1x640x128xf32, #tpu.memory_space<hbm>> -> memref<640x128xf32, #tpu.memory_space<hbm>>
      %dma_start3A_163 = arith.constant 0 : i32
      %dma_start3A_164 = tpu.memref_slice %arg11[%mul3A_0, %dma_start3A_163] : memref<10240x128xf32, #tpu.memory_space<vmem_shared>> -> memref<640x128xf32, #tpu.memory_space<vmem_shared>>
      tpu.enqueue_dma source(%dma_start3A_164 : memref<640x128xf32, #tpu.memory_space<vmem_shared>>) target(%dma_start3A_162 : memref<640x128xf32, #tpu.memory_space<hbm>>) target_semaphore(%run_scoped3A_159 : memref<!tpu.dma_semaphore, #tpu.memory_space<semaphore_mem>>)
      %dma_wait3A_165 = arith.constant 0 : i32
      %dma_wait3A_166 = tpu.memref_slice %arg4[%arg0, %mul3A_0, %dma_wait3A_165] : memref<2x10240x128xf32, #tpu.memory_space<hbm>> -> memref<1x640x128xf32, #tpu.memory_space<hbm>>
      %dma_wait3A_167 = tpu.memref_squeeze %dma_wait3A_166 : memref<1x640x128xf32, #tpu.memory_space<hbm>> -> memref<640x128xf32, #tpu.memory_space<hbm>>
      %dma_wait3A_168 = arith.constant 0 : i32
      %dma_wait3A_169 = tpu.memref_slice %arg11[%mul3A_0, %dma_wait3A_168] : memref<10240x128xf32, #tpu.memory_space<vmem_shared>> -> memref<640x128xf32, #tpu.memory_space<vmem_shared>>
      tpu.wait_dma2 semaphore(%run_scoped3A_159 : memref<!tpu.dma_semaphore, #tpu.memory_space<semaphore_mem>>) src(%dma_wait3A_169 : memref<640x128xf32, #tpu.memory_space<vmem_shared>>) dst(%dma_wait3A_167 : memref<640x128xf32, #tpu.memory_space<hbm>>)
      tpu.yield
    }) : () -> ()
    return
  }
}

#map = affine_map<(d0, d1) -> (0, 0, 0, 0, 0)>
#map1 = affine_map<(d0, d1) -> (0, 0, 0, 0)>
module attributes {stable_mosaic.version = 14 : i64} {
  func.func @_counts(%arg0: i32, %arg1: i32, %arg2: memref<2x16x5x50x80xi32, #tpu.memory_space<hbm>>, %arg3: memref<2x16x5x128xf32, #tpu.memory_space<hbm>>, %arg4: memref<50x80xi32, #tpu.memory_space<vmem>>, %arg5: memref<10240xf32, #tpu.memory_space<vmem>>, %arg6: memref<16x640xf32, #tpu.memory_space<vmem>>, %arg7: memref<5x128xf32, #tpu.memory_space<vmem>>, %arg8: memref<16x10240xf32, #tpu.memory_space<vmem_shared>>) attributes {dimension_semantics = [#tpu.dimension_semantics<core_parallel>, #tpu.dimension_semantics<subcore_parallel>], iteration_bounds = array<i64: 2, 16>, scalar_prefetch = 0 : i64, scratch_operands = 5 : i64, tpu.core_type = #tpu.core_type<sc_vector_subcore>, window_params = [{transform_indices = #map}, {transform_indices = #map1}]} {
    %scan3A = arith.constant 0 : i32
    %scan3A_0 = arith.constant 640 : i32
    %scan3A_1 = arith.addi %scan3A, %scan3A_0 : i32
    %scan3A_2 = arith.constant 1 : i32
    scf.for %scan3A_21 = %scan3A to %scan3A_1 step %scan3A_2  : i32 {
      %mul3A_22 = arith.constant 16 : i32
      %mul3A_23 = arith.muli %scan3A_21, %mul3A_22 : i32
      %add3A = arith.constant 0 : i32
      %add3A_24 = arith.addi %add3A, %mul3A_23 : i32
      %broadcast_in_dim3A_25 = arith.constant 0.000000e+00 : f32
      %broadcast_in_dim3A_26 = vector.broadcast %broadcast_in_dim3A_25 : f32 to vector<16xf32>
      %swap3A = arith.index_cast %add3A_24 : i32 to index
      %swap3A_27 = tpu.vector_load %arg5[%swap3A] {strides = array<i32>} : memref<10240xf32, #tpu.memory_space<vmem>>, vector<16xf32>,
      tpu.vector_store %arg5[%swap3A], %broadcast_in_dim3A_26 {strides = array<i32>} : memref<10240xf32, #tpu.memory_space<vmem>>, vector<16xf32>,
    }
    %scan3A_3 = arith.constant 640 : i32
    %broadcast_in_dim3A = arith.constant 1.000000e+00 : f32
    %broadcast_in_dim3A_4 = vector.broadcast %broadcast_in_dim3A : f32 to vector<16xf32>
    %scan3A_5 = arith.constant 0 : i32
    %scan3A_6 = arith.constant 5 : i32
    %scan3A_7 = arith.addi %scan3A_5, %scan3A_6 : i32
    %scan3A_8 = arith.constant 1 : i32
    scf.for %scan3A_21 = %scan3A_5 to %scan3A_7 step %scan3A_8  : i32 {
      %mul3A_22 = arith.constant 1 : i32
      %mul3A_23 = arith.muli %scan3A_21, %mul3A_22 : i32
      %add3A = arith.constant 0 : i32
      %add3A_24 = arith.addi %add3A, %mul3A_23 : i32
      %sub3A = arith.constant 1 : i32
      %sub3A_25 = arith.subi %sub3A, %arg0 : i32
      "tpu.region"() ({
        %run_scoped3A = tpu.sem_alloc : memref<!tpu.dma_semaphore, #tpu.memory_space<semaphore_mem>>
        %dma_start3A = arith.constant 0 : i32
        %dma_start3A_31 = arith.constant 0 : i32
        %dma_start3A_32 = tpu.memref_slice %arg2[%sub3A_25, %arg1, %add3A_24, %dma_start3A, %dma_start3A_31] : memref<2x16x5x50x80xi32, #tpu.memory_space<hbm>> -> memref<1x1x1x50x80xi32, #tpu.memory_space<hbm>>
        %dma_start3A_33 = tpu.memref_squeeze %dma_start3A_32 : memref<1x1x1x50x80xi32, #tpu.memory_space<hbm>> -> memref<50x80xi32, #tpu.memory_space<hbm>>
        %dma_start3A_34 = arith.constant 0 : i32
        %dma_start3A_35 = arith.constant 0 : i32
        %dma_start3A_36 = tpu.memref_slice %arg2[%sub3A_25, %arg1, %add3A_24, %dma_start3A_34, %dma_start3A_35] : memref<2x16x5x50x80xi32, #tpu.memory_space<hbm>> -> memref<1x1x1x50x80xi32, #tpu.memory_space<hbm>>
        %dma_start3A_37 = tpu.memref_squeeze %dma_start3A_36 : memref<1x1x1x50x80xi32, #tpu.memory_space<hbm>> -> memref<50x80xi32, #tpu.memory_space<hbm>>
        tpu.enqueue_dma source(%dma_start3A_37 : memref<50x80xi32, #tpu.memory_space<hbm>>) target(%arg4 : memref<50x80xi32, #tpu.memory_space<vmem>>) target_semaphore(%run_scoped3A : memref<!tpu.dma_semaphore, #tpu.memory_space<semaphore_mem>>)
        %dma_wait3A = arith.constant 0 : i32
        %dma_wait3A_38 = arith.constant 0 : i32
        %dma_wait3A_39 = tpu.memref_slice %arg2[%sub3A_25, %arg1, %add3A_24, %dma_wait3A, %dma_wait3A_38] : memref<2x16x5x50x80xi32, #tpu.memory_space<hbm>> -> memref<1x1x1x50x80xi32, #tpu.memory_space<hbm>>
        %dma_wait3A_40 = tpu.memref_squeeze %dma_wait3A_39 : memref<1x1x1x50x80xi32, #tpu.memory_space<hbm>> -> memref<50x80xi32, #tpu.memory_space<hbm>>
        %dma_wait3A_41 = arith.constant 0 : i32
        %dma_wait3A_42 = arith.constant 0 : i32
        %dma_wait3A_43 = tpu.memref_slice %arg2[%sub3A_25, %arg1, %add3A_24, %dma_wait3A_41, %dma_wait3A_42] : memref<2x16x5x50x80xi32, #tpu.memory_space<hbm>> -> memref<1x1x1x50x80xi32, #tpu.memory_space<hbm>>
        %dma_wait3A_44 = tpu.memref_squeeze %dma_wait3A_43 : memref<1x1x1x50x80xi32, #tpu.memory_space<hbm>> -> memref<50x80xi32, #tpu.memory_space<hbm>>
        tpu.wait_dma2 semaphore(%run_scoped3A : memref<!tpu.dma_semaphore, #tpu.memory_space<semaphore_mem>>) src(%dma_wait3A_44 : memref<50x80xi32, #tpu.memory_space<hbm>>) dst(%arg4 : memref<50x80xi32, #tpu.memory_space<vmem>>)
        tpu.yield
      }) : () -> ()
      %scan3A_26 = arith.constant 0 : i32
      %scan3A_27 = arith.constant 50 : i32
      %scan3A_28 = arith.addi %scan3A_26, %scan3A_27 : i32
      %scan3A_29 = arith.constant 1 : i32
      scf.for %scan3A_31 = %scan3A_26 to %scan3A_28 step %scan3A_29  : i32 {
        %mul3A_32 = arith.constant 1 : i32
        %mul3A_33 = arith.muli %scan3A_31, %mul3A_32 : i32
        %add3A_34 = arith.constant 0 : i32
        %add3A_35 = arith.addi %add3A_34, %mul3A_33 : i32
        %scan3A_36 = arith.constant 0 : i32
        %scan3A_37 = arith.constant 5 : i32
        %scan3A_38 = arith.addi %scan3A_36, %scan3A_37 : i32
        %scan3A_39 = arith.constant 1 : i32
        scf.for %scan3A_41 = %scan3A_36 to %scan3A_38 step %scan3A_39  : i32 {
          %mul3A_42 = arith.constant 16 : i32
          %mul3A_43 = arith.muli %scan3A_41, %mul3A_42 : i32
          %add3A_44 = arith.constant 0 : i32
          %add3A_45 = arith.addi %add3A_44, %mul3A_43 : i32
          %get3A = arith.index_cast %add3A_35 : i32 to index
          %get3A_46 = arith.index_cast %add3A_45 : i32 to index
          %get3A_47 = tpu.vector_load %arg4[%get3A, %get3A_46] {strides = array<i32>} : memref<50x80xi32, #tpu.memory_space<vmem>>, vector<16xi32>,
          tpu.vector_store_idx %arg5[%get3A_47], %broadcast_in_dim3A_4 {add = true} : memref<10240xf32, #tpu.memory_space<vmem>>[vector<16xi32>], vector<16xf32>,
        }
        %scan3A_40 = arith.constant 5 : i32
      }
      %scan3A_30 = arith.constant 50 : i32
    }
    %scan3A_9 = arith.constant 5 : i32
    "tpu.region"() ({
      %run_scoped3A = tpu.sem_alloc : memref<!tpu.dma_semaphore, #tpu.memory_space<semaphore_mem>>
      %dma_start3A = arith.constant 0 : i32
      %dma_start3A_21 = tpu.memref_slice %arg8[%arg1, %dma_start3A] : memref<16x10240xf32, #tpu.memory_space<vmem_shared>> -> memref<1x10240xf32, #tpu.memory_space<vmem_shared>>
      %dma_start3A_22 = tpu.memref_squeeze %dma_start3A_21 : memref<1x10240xf32, #tpu.memory_space<vmem_shared>> -> memref<10240xf32, #tpu.memory_space<vmem_shared>>
      %dma_start3A_23 = arith.constant 0 : i32
      %dma_start3A_24 = tpu.memref_slice %arg8[%arg1, %dma_start3A_23] : memref<16x10240xf32, #tpu.memory_space<vmem_shared>> -> memref<1x10240xf32, #tpu.memory_space<vmem_shared>>
      %dma_start3A_25 = tpu.memref_squeeze %dma_start3A_24 : memref<1x10240xf32, #tpu.memory_space<vmem_shared>> -> memref<10240xf32, #tpu.memory_space<vmem_shared>>
      tpu.enqueue_dma source(%arg5 : memref<10240xf32, #tpu.memory_space<vmem>>) target(%dma_start3A_25 : memref<10240xf32, #tpu.memory_space<vmem_shared>>) target_semaphore(%run_scoped3A : memref<!tpu.dma_semaphore, #tpu.memory_space<semaphore_mem>>)
      %dma_wait3A = arith.constant 0 : i32
      %dma_wait3A_26 = tpu.memref_slice %arg8[%arg1, %dma_wait3A] : memref<16x10240xf32, #tpu.memory_space<vmem_shared>> -> memref<1x10240xf32, #tpu.memory_space<vmem_shared>>
      %dma_wait3A_27 = tpu.memref_squeeze %dma_wait3A_26 : memref<1x10240xf32, #tpu.memory_space<vmem_shared>> -> memref<10240xf32, #tpu.memory_space<vmem_shared>>
      %dma_wait3A_28 = arith.constant 0 : i32
      %dma_wait3A_29 = tpu.memref_slice %arg8[%arg1, %dma_wait3A_28] : memref<16x10240xf32, #tpu.memory_space<vmem_shared>> -> memref<1x10240xf32, #tpu.memory_space<vmem_shared>>
      %dma_wait3A_30 = tpu.memref_squeeze %dma_wait3A_29 : memref<1x10240xf32, #tpu.memory_space<vmem_shared>> -> memref<10240xf32, #tpu.memory_space<vmem_shared>>
      tpu.wait_dma2 semaphore(%run_scoped3A : memref<!tpu.dma_semaphore, #tpu.memory_space<semaphore_mem>>) src(%arg5 : memref<10240xf32, #tpu.memory_space<vmem>>) dst(%dma_wait3A_30 : memref<10240xf32, #tpu.memory_space<vmem_shared>>)
      tpu.yield
    }) : () -> ()
    %barrier3A = arith.constant 0 : index
    tpu.barrier barrier_id(%barrier3A)
    %mul3A = arith.constant 640 : i32
    %mul3A_10 = arith.muli %arg1, %mul3A : i32
    %scan3A_11 = arith.constant 0 : i32
    %scan3A_12 = arith.constant 16 : i32
    %scan3A_13 = arith.addi %scan3A_11, %scan3A_12 : i32
    %scan3A_14 = arith.constant 1 : i32
    scf.for %scan3A_21 = %scan3A_11 to %scan3A_13 step %scan3A_14  : i32 {
      %mul3A_22 = arith.constant 1 : i32
      %mul3A_23 = arith.muli %scan3A_21, %mul3A_22 : i32
      %add3A = arith.constant 0 : i32
      %add3A_24 = arith.addi %add3A, %mul3A_23 : i32
      "tpu.region"() ({
        %run_scoped3A = tpu.sem_alloc : memref<!tpu.dma_semaphore, #tpu.memory_space<semaphore_mem>>
        %dma_start3A = arith.constant 0 : i32
        %dma_start3A_25 = tpu.memref_slice %arg6[%add3A_24, %dma_start3A] : memref<16x640xf32, #tpu.memory_space<vmem>> -> memref<1x640xf32, #tpu.memory_space<vmem>>
        %dma_start3A_26 = tpu.memref_squeeze %dma_start3A_25 : memref<1x640xf32, #tpu.memory_space<vmem>> -> memref<640xf32, #tpu.memory_space<vmem>>
        %dma_start3A_27 = tpu.memref_slice %arg8[%add3A_24, %mul3A_10] : memref<16x10240xf32, #tpu.memory_space<vmem_shared>> -> memref<1x640xf32, #tpu.memory_space<vmem_shared>>
        %dma_start3A_28 = tpu.memref_squeeze %dma_start3A_27 : memref<1x640xf32, #tpu.memory_space<vmem_shared>> -> memref<640xf32, #tpu.memory_space<vmem_shared>>
        %dma_start3A_29 = arith.constant 0 : i32
        %dma_start3A_30 = tpu.memref_slice %arg6[%add3A_24, %dma_start3A_29] : memref<16x640xf32, #tpu.memory_space<vmem>> -> memref<1x640xf32, #tpu.memory_space<vmem>>
        %dma_start3A_31 = tpu.memref_squeeze %dma_start3A_30 : memref<1x640xf32, #tpu.memory_space<vmem>> -> memref<640xf32, #tpu.memory_space<vmem>>
        %dma_start3A_32 = tpu.memref_slice %arg8[%add3A_24, %mul3A_10] : memref<16x10240xf32, #tpu.memory_space<vmem_shared>> -> memref<1x640xf32, #tpu.memory_space<vmem_shared>>
        %dma_start3A_33 = tpu.memref_squeeze %dma_start3A_32 : memref<1x640xf32, #tpu.memory_space<vmem_shared>> -> memref<640xf32, #tpu.memory_space<vmem_shared>>
        tpu.enqueue_dma source(%dma_start3A_33 : memref<640xf32, #tpu.memory_space<vmem_shared>>) target(%dma_start3A_31 : memref<640xf32, #tpu.memory_space<vmem>>) target_semaphore(%run_scoped3A : memref<!tpu.dma_semaphore, #tpu.memory_space<semaphore_mem>>)
        %dma_wait3A = arith.constant 0 : i32
        %dma_wait3A_34 = tpu.memref_slice %arg6[%add3A_24, %dma_wait3A] : memref<16x640xf32, #tpu.memory_space<vmem>> -> memref<1x640xf32, #tpu.memory_space<vmem>>
        %dma_wait3A_35 = tpu.memref_squeeze %dma_wait3A_34 : memref<1x640xf32, #tpu.memory_space<vmem>> -> memref<640xf32, #tpu.memory_space<vmem>>
        %dma_wait3A_36 = tpu.memref_slice %arg8[%add3A_24, %mul3A_10] : memref<16x10240xf32, #tpu.memory_space<vmem_shared>> -> memref<1x640xf32, #tpu.memory_space<vmem_shared>>
        %dma_wait3A_37 = tpu.memref_squeeze %dma_wait3A_36 : memref<1x640xf32, #tpu.memory_space<vmem_shared>> -> memref<640xf32, #tpu.memory_space<vmem_shared>>
        %dma_wait3A_38 = arith.constant 0 : i32
        %dma_wait3A_39 = tpu.memref_slice %arg6[%add3A_24, %dma_wait3A_38] : memref<16x640xf32, #tpu.memory_space<vmem>> -> memref<1x640xf32, #tpu.memory_space<vmem>>
        %dma_wait3A_40 = tpu.memref_squeeze %dma_wait3A_39 : memref<1x640xf32, #tpu.memory_space<vmem>> -> memref<640xf32, #tpu.memory_space<vmem>>
        %dma_wait3A_41 = tpu.memref_slice %arg8[%add3A_24, %mul3A_10] : memref<16x10240xf32, #tpu.memory_space<vmem_shared>> -> memref<1x640xf32, #tpu.memory_space<vmem_shared>>
        %dma_wait3A_42 = tpu.memref_squeeze %dma_wait3A_41 : memref<1x640xf32, #tpu.memory_space<vmem_shared>> -> memref<640xf32, #tpu.memory_space<vmem_shared>>
        tpu.wait_dma2 semaphore(%run_scoped3A : memref<!tpu.dma_semaphore, #tpu.memory_space<semaphore_mem>>) src(%dma_wait3A_42 : memref<640xf32, #tpu.memory_space<vmem_shared>>) dst(%dma_wait3A_40 : memref<640xf32, #tpu.memory_space<vmem>>)
        tpu.yield
      }) : () -> ()
    }
    %scan3A_15 = arith.constant 16 : i32
    %scan3A_16 = arith.constant 0 : i32
    %scan3A_17 = arith.constant 40 : i32
    %scan3A_18 = arith.addi %scan3A_16, %scan3A_17 : i32
    %scan3A_19 = arith.constant 1 : i32
    scf.for %scan3A_21 = %scan3A_16 to %scan3A_18 step %scan3A_19  : i32 {
      %mul3A_22 = arith.constant 1 : i32
      %mul3A_23 = arith.muli %scan3A_21, %mul3A_22 : i32
      %add3A = arith.constant 0 : i32
      %add3A_24 = arith.addi %add3A, %mul3A_23 : i32
      %mul3A_25 = arith.constant 16 : i32
      %mul3A_26 = arith.muli %add3A_24, %mul3A_25 : i32
      %get3A = arith.constant 0 : i32
      %get3A_27 = arith.index_cast %get3A : i32 to index
      %get3A_28 = arith.index_cast %mul3A_26 : i32 to index
      %get3A_29 = tpu.vector_load %arg6[%get3A_27, %get3A_28] {strides = array<i32>} : memref<16x640xf32, #tpu.memory_space<vmem>>, vector<16xf32>,
      %scan3A_30 = arith.constant 1 : i32
      %scan3A_31 = arith.constant 15 : i32
      %scan3A_32 = arith.addi %scan3A_30, %scan3A_31 : i32
      %scan3A_33 = arith.constant 1 : i32
      %scan3A_34 = scf.for %scan3A_70 = %scan3A_30 to %scan3A_32 step %scan3A_33 iter_args(%scan3A_71 = %get3A_29) -> (vector<16xf32>)  : i32 {
        %mul3A_72 = arith.constant 16 : i32
        %mul3A_73 = arith.muli %add3A_24, %mul3A_72 : i32
        %get3A_74 = arith.index_cast %scan3A_70 : i32 to index
        %get3A_75 = arith.index_cast %mul3A_73 : i32 to index
        %get3A_76 = tpu.vector_load %arg6[%get3A_74, %get3A_75] {strides = array<i32>} : memref<16x640xf32, #tpu.memory_space<vmem>>, vector<16xf32>,
        %add3A_77 = arith.addf %scan3A_71, %get3A_76 : vector<16xf32>
        scf.yield %add3A_77 : vector<16xf32>
      }
      %scan3A_35 = arith.constant 15 : i32
      %jit3A = arith.constant 8 : i32
      %div3A = arith.divsi %add3A_24, %jit3A : i32
      %sign3A = arith.constant 0 : i32
      %sign3A_36 = arith.cmpi sgt, %add3A_24, %sign3A : i32
      %sign3A_37 = arith.extui %sign3A_36 : i1 to i32
      %sign3A_38 = arith.constant 0 : i32
      %sign3A_39 = arith.cmpi slt, %add3A_24, %sign3A_38 : i32
      %sign3A_40 = arith.extui %sign3A_39 : i1 to i32
      %sign3A_41 = arith.subi %sign3A_37, %sign3A_40 : i32
      %sign3A_42 = arith.constant 0 : i32
      %sign3A_43 = arith.cmpi sgt, %jit3A, %sign3A_42 : i32
      %sign3A_44 = arith.extui %sign3A_43 : i1 to i32
      %sign3A_45 = arith.constant 0 : i32
      %sign3A_46 = arith.cmpi slt, %jit3A, %sign3A_45 : i32
      %sign3A_47 = arith.extui %sign3A_46 : i1 to i32
      %sign3A_48 = arith.subi %sign3A_44, %sign3A_47 : i32
      %ne3A = arith.cmpi ne, %sign3A_41, %sign3A_48 : i32
      %rem3A = arith.remsi %add3A_24, %jit3A : i32
      %ne3A_49 = arith.constant 0 : i32
      %ne3A_50 = arith.cmpi ne, %rem3A, %ne3A_49 : i32
      %and3A = arith.andi %ne3A, %ne3A_50 : i1
      %sub3A = arith.constant 1 : i32
      %sub3A_51 = arith.subi %div3A, %sub3A : i32
      %select_n3A = arith.select %and3A, %sub3A_51, %div3A : i32
      %jit3A_52 = arith.constant 8 : i32
      %eq3A = arith.constant 0 : i32
      %eq3A_53 = arith.cmpi eq, %jit3A_52, %eq3A : i32
      %jit3A_54 = arith.constant 1 : i32
      %select_n3A_55 = arith.select %eq3A_53, %jit3A_54, %jit3A_52 : i32
      %rem3A_56 = arith.remsi %add3A_24, %select_n3A_55 : i32
      %ne3A_57 = arith.constant 0 : i32
      %ne3A_58 = arith.cmpi ne, %rem3A_56, %ne3A_57 : i32
      %lt3A = arith.constant 0 : i32
      %lt3A_59 = arith.cmpi slt, %rem3A_56, %lt3A : i32
      %lt3A_60 = arith.constant 0 : i32
      %lt3A_61 = arith.cmpi slt, %select_n3A_55, %lt3A_60 : i32
      %ne3A_62 = arith.xori %lt3A_59, %lt3A_61 : i1
      %and3A_63 = arith.andi %ne3A_62, %ne3A_58 : i1
      %add3A_64 = arith.addi %rem3A_56, %select_n3A_55 : i32
      %select_n3A_65 = arith.select %and3A_63, %add3A_64, %rem3A_56 : i32
      %mul3A_66 = arith.constant 16 : i32
      %mul3A_67 = arith.muli %select_n3A_65, %mul3A_66 : i32
      %swap3A = arith.index_cast %select_n3A : i32 to index
      %swap3A_68 = arith.index_cast %mul3A_67 : i32 to index
      %swap3A_69 = tpu.vector_load %arg7[%swap3A, %swap3A_68] {strides = array<i32>} : memref<5x128xf32, #tpu.memory_space<vmem>>, vector<16xf32>,
      tpu.vector_store %arg7[%swap3A, %swap3A_68], %scan3A_34 {strides = array<i32>} : memref<5x128xf32, #tpu.memory_space<vmem>>, vector<16xf32>,
    }
    %scan3A_20 = arith.constant 40 : i32
    "tpu.region"() ({
      %run_scoped3A = tpu.sem_alloc : memref<!tpu.dma_semaphore, #tpu.memory_space<semaphore_mem>>
      %dma_start3A = arith.constant 0 : i32
      %dma_start3A_21 = arith.constant 0 : i32
      %dma_start3A_22 = tpu.memref_slice %arg3[%arg0, %arg1, %dma_start3A, %dma_start3A_21] : memref<2x16x5x128xf32, #tpu.memory_space<hbm>> -> memref<1x1x5x128xf32, #tpu.memory_space<hbm>>
      %dma_start3A_23 = tpu.memref_squeeze %dma_start3A_22 : memref<1x1x5x128xf32, #tpu.memory_space<hbm>> -> memref<5x128xf32, #tpu.memory_space<hbm>>
      %dma_start3A_24 = arith.constant 0 : i32
      %dma_start3A_25 = arith.constant 0 : i32
      %dma_start3A_26 = tpu.memref_slice %arg3[%arg0, %arg1, %dma_start3A_24, %dma_start3A_25] : memref<2x16x5x128xf32, #tpu.memory_space<hbm>> -> memref<1x1x5x128xf32, #tpu.memory_space<hbm>>
      %dma_start3A_27 = tpu.memref_squeeze %dma_start3A_26 : memref<1x1x5x128xf32, #tpu.memory_space<hbm>> -> memref<5x128xf32, #tpu.memory_space<hbm>>
      tpu.enqueue_dma source(%arg7 : memref<5x128xf32, #tpu.memory_space<vmem>>) target(%dma_start3A_27 : memref<5x128xf32, #tpu.memory_space<hbm>>) target_semaphore(%run_scoped3A : memref<!tpu.dma_semaphore, #tpu.memory_space<semaphore_mem>>)
      %dma_wait3A = arith.constant 0 : i32
      %dma_wait3A_28 = arith.constant 0 : i32
      %dma_wait3A_29 = tpu.memref_slice %arg3[%arg0, %arg1, %dma_wait3A, %dma_wait3A_28] : memref<2x16x5x128xf32, #tpu.memory_space<hbm>> -> memref<1x1x5x128xf32, #tpu.memory_space<hbm>>
      %dma_wait3A_30 = tpu.memref_squeeze %dma_wait3A_29 : memref<1x1x5x128xf32, #tpu.memory_space<hbm>> -> memref<5x128xf32, #tpu.memory_space<hbm>>
      %dma_wait3A_31 = arith.constant 0 : i32
      %dma_wait3A_32 = arith.constant 0 : i32
      %dma_wait3A_33 = tpu.memref_slice %arg3[%arg0, %arg1, %dma_wait3A_31, %dma_wait3A_32] : memref<2x16x5x128xf32, #tpu.memory_space<hbm>> -> memref<1x1x5x128xf32, #tpu.memory_space<hbm>>
      %dma_wait3A_34 = tpu.memref_squeeze %dma_wait3A_33 : memref<1x1x5x128xf32, #tpu.memory_space<hbm>> -> memref<5x128xf32, #tpu.memory_space<hbm>>
      tpu.wait_dma2 semaphore(%run_scoped3A : memref<!tpu.dma_semaphore, #tpu.memory_space<semaphore_mem>>) src(%arg7 : memref<5x128xf32, #tpu.memory_space<vmem>>) dst(%dma_wait3A_34 : memref<5x128xf32, #tpu.memory_space<hbm>>)
      tpu.yield
    }) : () -> ()
    return
  }
}

module attributes {stable_mosaic.version = 14 : i64} {
  func.func @_tc0_body(%arg0: i32, %arg1: memref<2000x128xf32, #tpu.memory_space<vmem>>, %arg2: memref<128x128xf32, #tpu.memory_space<vmem>>, %arg3: memref<128x128xf32, #tpu.memory_space<vmem>>, %arg4: memref<1x128xf32, #tpu.memory_space<vmem>>, %arg5: memref<128x128xf32, #tpu.memory_space<vmem>>, %arg6: memref<1x128xf32, #tpu.memory_space<vmem>>, %arg7: memref<2000x128xf32, #tpu.memory_space<vmem>>, %arg8: memref<2000x128xf32, #tpu.memory_space<vmem>>, %arg9: memref<2000x128xf32, #tpu.memory_space<vmem>>) attributes {dimension_semantics = [#tpu.dimension_semantics<arbitrary>], iteration_bounds = array<i64: 5>, scalar_prefetch = 0 : i64, scratch_operands = 0 : i64, tpu.core_type = #tpu.core_type<tc>, window_params = [{transform_indices = @transform_0, window_bounds = array<i64: 2000, 128>}, {pipeline_mode = #tpu.pipeline_mode<synchronous>, transform_indices = @transform_1, window_bounds = array<i64: 128, 128>}, {pipeline_mode = #tpu.pipeline_mode<synchronous>, transform_indices = @transform_2, window_bounds = array<i64: 128, 128>}, {pipeline_mode = #tpu.pipeline_mode<synchronous>, transform_indices = @transform_3, window_bounds = array<i64: 1, 128>}, {pipeline_mode = #tpu.pipeline_mode<synchronous>, transform_indices = @transform_4, window_bounds = array<i64: 128, 128>}, {pipeline_mode = #tpu.pipeline_mode<synchronous>, transform_indices = @transform_5, window_bounds = array<i64: 1, 128>}, {transform_indices = @transform_6, window_bounds = array<i64: 2000, 128>}, {transform_indices = @transform_7, window_bounds = array<i64: 2000, 128>}, {transform_indices = @transform_8, window_bounds = array<i64: 2000, 128>}]} {
    %get3A = arith.constant 0 : index
    %get3A_0 = arith.constant 0 : index
    %get3A_1 = vector.load %arg1[%get3A, %get3A_0] : memref<2000x128xf32, #tpu.memory_space<vmem>>, vector<2000x128xf32>
    %get3A_2 = arith.constant 0 : index
    %get3A_3 = arith.constant 0 : index
    %get3A_4 = vector.load %arg2[%get3A_2, %get3A_3] : memref<128x128xf32, #tpu.memory_space<vmem>>, vector<128x128xf32>
    %dot_general3A = arith.constant dense<0.000000e+00> : vector<2000x128xf32>
    %dot_general3A_5 = tpu.matmul %get3A_1, %get3A_4, %dot_general3A {dimension_numbers = #tpu.dot_dimension_numbers<[1], [1], [0], [0], [0, 0, 1, 0], [], []>, precision = #tpu.contract_precision<fp32>, transpose_lhs_hint = false} : vector<2000x128xf32>, vector<128x128xf32>, vector<2000x128xf32> -> vector<2000x128xf32>
    %swap3A = arith.constant 0 : index
    %swap3A_6 = arith.constant 0 : index
    %swap3A_7 = vector.load %arg7[%swap3A, %swap3A_6] : memref<2000x128xf32, #tpu.memory_space<vmem>>, vector<2000x128xf32>
    tpu.vector_store %arg7[%swap3A, %swap3A_6], %dot_general3A_5 {strides = array<i32>} : memref<2000x128xf32, #tpu.memory_space<vmem>>, vector<2000x128xf32>,
    %get3A_8 = arith.constant 0 : index
    %get3A_9 = arith.constant 0 : index
    %get3A_10 = vector.load %arg3[%get3A_8, %get3A_9] : memref<128x128xf32, #tpu.memory_space<vmem>>, vector<128x128xf32>
    %dot_general3A_11 = arith.constant dense<0.000000e+00> : vector<2000x128xf32>
    %dot_general3A_12 = tpu.matmul %get3A_1, %get3A_10, %dot_general3A_11 {dimension_numbers = #tpu.dot_dimension_numbers<[1], [1], [0], [0], [0, 0, 1, 0], [], []>, precision = #tpu.contract_precision<fp32>, transpose_lhs_hint = false} : vector<2000x128xf32>, vector<128x128xf32>, vector<2000x128xf32> -> vector<2000x128xf32>
    %get3A_13 = arith.constant 0 : index
    %get3A_14 = arith.constant 0 : index
    %get3A_15 = vector.load %arg4[%get3A_13, %get3A_14] : memref<1x128xf32, #tpu.memory_space<vmem>>, vector<1x128xf32>
    %add3A = vector.broadcast %get3A_15 : vector<1x128xf32> to vector<2000x128xf32>
    %add3A_16 = arith.addf %dot_general3A_12, %add3A : vector<2000x128xf32>
    %swap3A_17 = arith.constant 0 : index
    %swap3A_18 = arith.constant 0 : index
    %swap3A_19 = vector.load %arg8[%swap3A_17, %swap3A_18] : memref<2000x128xf32, #tpu.memory_space<vmem>>, vector<2000x128xf32>
    tpu.vector_store %arg8[%swap3A_17, %swap3A_18], %add3A_16 {strides = array<i32>} : memref<2000x128xf32, #tpu.memory_space<vmem>>, vector<2000x128xf32>,
    %get3A_20 = arith.constant 0 : index
    %get3A_21 = arith.constant 0 : index
    %get3A_22 = vector.load %arg5[%get3A_20, %get3A_21] : memref<128x128xf32, #tpu.memory_space<vmem>>, vector<128x128xf32>
    %dot_general3A_23 = arith.constant dense<0.000000e+00> : vector<2000x128xf32>
    %dot_general3A_24 = tpu.matmul %get3A_1, %get3A_22, %dot_general3A_23 {dimension_numbers = #tpu.dot_dimension_numbers<[1], [1], [0], [0], [0, 0, 1, 0], [], []>, precision = #tpu.contract_precision<fp32>, transpose_lhs_hint = false} : vector<2000x128xf32>, vector<128x128xf32>, vector<2000x128xf32> -> vector<2000x128xf32>
    %get3A_25 = arith.constant 0 : index
    %get3A_26 = arith.constant 0 : index
    %get3A_27 = vector.load %arg6[%get3A_25, %get3A_26] : memref<1x128xf32, #tpu.memory_space<vmem>>, vector<1x128xf32>
    %add3A_28 = vector.broadcast %get3A_27 : vector<1x128xf32> to vector<2000x128xf32>
    %add3A_29 = arith.addf %dot_general3A_24, %add3A_28 : vector<2000x128xf32>
    %swap3A_30 = arith.constant 0 : index
    %swap3A_31 = arith.constant 0 : index
    %swap3A_32 = vector.load %arg9[%swap3A_30, %swap3A_31] : memref<2000x128xf32, #tpu.memory_space<vmem>>, vector<2000x128xf32>
    tpu.vector_store %arg9[%swap3A_30, %swap3A_31], %add3A_29 {strides = array<i32>} : memref<2000x128xf32, #tpu.memory_space<vmem>>, vector<2000x128xf32>,
    return
  }
  func.func @transform_0(%arg0: i32) -> (i32, i32) {
    %c0_i32 = arith.constant 0 : i32
    %c0_i32_0 = arith.constant 0 : i32
    return %arg0, %c0_i32 : i32, i32
  }
  func.func @transform_1(%arg0: i32) -> (i32, i32) {
    %c0_i32 = arith.constant 0 : i32
    %c0_i32_0 = arith.constant 0 : i32
    %c0_i32_1 = arith.constant 0 : i32
    return %c0_i32, %c0_i32_0 : i32, i32
  }
  func.func @transform_2(%arg0: i32) -> (i32, i32) {
    %c0_i32 = arith.constant 0 : i32
    %c0_i32_0 = arith.constant 0 : i32
    %c0_i32_1 = arith.constant 0 : i32
    return %c0_i32, %c0_i32_0 : i32, i32
  }
  func.func @transform_3(%arg0: i32) -> (i32, i32) {
    %c0_i32 = arith.constant 0 : i32
    %c0_i32_0 = arith.constant 0 : i32
    %c0_i32_1 = arith.constant 0 : i32
    return %c0_i32, %c0_i32_0 : i32, i32
  }
  func.func @transform_4(%arg0: i32) -> (i32, i32) {
    %c0_i32 = arith.constant 0 : i32
    %c0_i32_0 = arith.constant 0 : i32
    %c0_i32_1 = arith.constant 0 : i32
    return %c0_i32, %c0_i32_0 : i32, i32
  }
  func.func @transform_5(%arg0: i32) -> (i32, i32) {
    %c0_i32 = arith.constant 0 : i32
    %c0_i32_0 = arith.constant 0 : i32
    %c0_i32_1 = arith.constant 0 : i32
    return %c0_i32, %c0_i32_0 : i32, i32
  }
  func.func @transform_6(%arg0: i32) -> (i32, i32) {
    %c0_i32 = arith.constant 0 : i32
    %c0_i32_0 = arith.constant 0 : i32
    return %arg0, %c0_i32 : i32, i32
  }
  func.func @transform_7(%arg0: i32) -> (i32, i32) {
    %c0_i32 = arith.constant 0 : i32
    %c0_i32_0 = arith.constant 0 : i32
    return %arg0, %c0_i32 : i32, i32
  }
  func.func @transform_8(%arg0: i32) -> (i32, i32) {
    %c0_i32 = arith.constant 0 : i32
    %c0_i32_0 = arith.constant 0 : i32
    return %arg0, %c0_i32 : i32, i32
  }
}

module attributes {stable_mosaic.version = 14 : i64} {
  func.func @_tcstep_body(%arg0: i32, %arg1: memref<2000x128xf32, #tpu.memory_space<vmem>>, %arg2: memref<2000x128xf32, #tpu.memory_space<vmem>>, %arg3: memref<2000x128xf32, #tpu.memory_space<vmem>>, %arg4: memref<2000x1xf32, #tpu.memory_space<vmem>>, %arg5: memref<2000x1xf32, #tpu.memory_space<vmem>>, %arg6: memref<2000x128xf32, #tpu.memory_space<vmem>>, %arg7: memref<1x128xf32, #tpu.memory_space<vmem>>, %arg8: memref<1x128xf32, #tpu.memory_space<vmem>>, %arg9: memref<128x128xf32, #tpu.memory_space<vmem>>, %arg10: memref<128x128xf32, #tpu.memory_space<vmem>>, %arg11: memref<128x128xf32, #tpu.memory_space<vmem>>, %arg12: memref<1x128xf32, #tpu.memory_space<vmem>>, %arg13: memref<2000x128xf32, #tpu.memory_space<vmem>>, %arg14: memref<2000x128xf32, #tpu.memory_space<vmem>>, %arg15: memref<2000x128xf32, #tpu.memory_space<vmem>>) attributes {dimension_semantics = [#tpu.dimension_semantics<arbitrary>], iteration_bounds = array<i64: 5>, scalar_prefetch = 0 : i64, scratch_operands = 0 : i64, tpu.core_type = #tpu.core_type<tc>, window_params = [{transform_indices = @transform_0, window_bounds = array<i64: 2000, 128>}, {transform_indices = @transform_1, window_bounds = array<i64: 2000, 128>}, {transform_indices = @transform_2, window_bounds = array<i64: 2000, 128>}, {transform_indices = @transform_3, window_bounds = array<i64: 2000, 1>}, {transform_indices = @transform_4, window_bounds = array<i64: 2000, 1>}, {transform_indices = @transform_5, window_bounds = array<i64: 2000, 128>}, {pipeline_mode = #tpu.pipeline_mode<synchronous>, transform_indices = @transform_6, window_bounds = array<i64: 1, 128>}, {pipeline_mode = #tpu.pipeline_mode<synchronous>, transform_indices = @transform_7, window_bounds = array<i64: 1, 128>}, {pipeline_mode = #tpu.pipeline_mode<synchronous>, transform_indices = @transform_8, window_bounds = array<i64: 128, 128>}, {pipeline_mode = #tpu.pipeline_mode<synchronous>, transform_indices = @transform_9, window_bounds = array<i64: 128, 128>}, {pipeline_mode = #tpu.pipeline_mode<synchronous>, transform_indices = @transform_10, window_bounds = array<i64: 128, 128>}, {pipeline_mode = #tpu.pipeline_mode<synchronous>, transform_indices = @transform_11, window_bounds = array<i64: 1, 128>}, {transform_indices = @transform_12, window_bounds = array<i64: 2000, 128>}, {transform_indices = @transform_13, window_bounds = array<i64: 2000, 128>}, {transform_indices = @transform_14, window_bounds = array<i64: 2000, 128>}]} {
    %get3A = arith.constant 0 : index
    %get3A_0 = arith.constant 0 : index
    %get3A_1 = vector.load %arg4[%get3A, %get3A_0] : memref<2000x1xf32, #tpu.memory_space<vmem>>, vector<2000x1xf32>
    %max3A = arith.constant 1.000000e+00 : f32
    %max3A_2 = vector.broadcast %max3A : f32 to vector<2000x1xf32>
    %max3A_3 = arith.maximumf %get3A_1, %max3A_2 : vector<2000x1xf32>
    %div3A = arith.constant 1.000000e+00 : f32
    %div3A_4 = vector.broadcast %div3A : f32 to vector<2000x1xf32>
    %div3A_5 = arith.divf %div3A_4, %max3A_3 : vector<2000x1xf32>
    %get3A_6 = arith.constant 0 : index
    %get3A_7 = arith.constant 0 : index
    %get3A_8 = vector.load %arg5[%get3A_6, %get3A_7] : memref<2000x1xf32, #tpu.memory_space<vmem>>, vector<2000x1xf32>
    %max3A_9 = arith.constant 1.000000e+00 : f32
    %max3A_10 = vector.broadcast %max3A_9 : f32 to vector<2000x1xf32>
    %max3A_11 = arith.maximumf %get3A_8, %max3A_10 : vector<2000x1xf32>
    %div3A_12 = arith.constant 1.000000e+00 : f32
    %div3A_13 = vector.broadcast %div3A_12 : f32 to vector<2000x1xf32>
    %div3A_14 = arith.divf %div3A_13, %max3A_11 : vector<2000x1xf32>
    %get3A_15 = arith.constant 0 : index
    %get3A_16 = arith.constant 0 : index
    %get3A_17 = vector.load %arg1[%get3A_15, %get3A_16] : memref<2000x128xf32, #tpu.memory_space<vmem>>, vector<2000x128xf32>
    %get3A_18 = arith.constant 0 : index
    %get3A_19 = arith.constant 0 : index
    %get3A_20 = vector.load %arg2[%get3A_18, %get3A_19] : memref<2000x128xf32, #tpu.memory_space<vmem>>, vector<2000x128xf32>
    %mul3A = vector.broadcast %div3A_5 : vector<2000x1xf32> to vector<2000x128xf32>
    %mul3A_21 = arith.mulf %get3A_20, %mul3A : vector<2000x128xf32>
    %add3A = arith.addf %get3A_17, %mul3A_21 : vector<2000x128xf32>
    %get3A_22 = arith.constant 0 : index
    %get3A_23 = arith.constant 0 : index
    %get3A_24 = vector.load %arg3[%get3A_22, %get3A_23] : memref<2000x128xf32, #tpu.memory_space<vmem>>, vector<2000x128xf32>
    %mul3A_25 = vector.broadcast %div3A_14 : vector<2000x1xf32> to vector<2000x128xf32>
    %mul3A_26 = arith.mulf %get3A_24, %mul3A_25 : vector<2000x128xf32>
    %add3A_27 = arith.addf %add3A, %mul3A_26 : vector<2000x128xf32>
    %max3A_28 = arith.constant 0.000000e+00 : f32
    %max3A_29 = vector.broadcast %max3A_28 : f32 to vector<2000x128xf32>
    %max3A_30 = arith.maximumf %add3A_27, %max3A_29 : vector<2000x128xf32>
    %reduce_sum3A = arith.constant dense<0.000000e+00> : vector<2000xf32>
    %reduce_sum3A_31 = vector.multi_reduction <add>, %max3A_30, %reduce_sum3A [1] : vector<2000x128xf32> to vector<2000xf32>
    %broadcast_in_dim3A = vector.shape_cast %reduce_sum3A_31 : vector<2000xf32> to vector<2000x1xf32>
    %div3A_32 = arith.constant 1.280000e+02 : f32
    %div3A_33 = vector.broadcast %div3A_32 : f32 to vector<2000x1xf32>
    %div3A_34 = arith.divf %broadcast_in_dim3A, %div3A_33 : vector<2000x1xf32>
    %sub3A = vector.broadcast %div3A_34 : vector<2000x1xf32> to vector<2000x128xf32>
    %sub3A_35 = arith.subf %max3A_30, %sub3A : vector<2000x128xf32>
    %sub3A_36 = vector.broadcast %div3A_34 : vector<2000x1xf32> to vector<2000x128xf32>
    %sub3A_37 = arith.subf %max3A_30, %sub3A_36 : vector<2000x128xf32>
    %mul3A_38 = arith.mulf %sub3A_35, %sub3A_37 : vector<2000x128xf32>
    %reduce_sum3A_39 = arith.constant dense<0.000000e+00> : vector<2000xf32>
    %reduce_sum3A_40 = vector.multi_reduction <add>, %mul3A_38, %reduce_sum3A_39 [1] : vector<2000x128xf32> to vector<2000xf32>
    %broadcast_in_dim3A_41 = vector.shape_cast %reduce_sum3A_40 : vector<2000xf32> to vector<2000x1xf32>
    %div3A_42 = arith.constant 1.280000e+02 : f32
    %div3A_43 = vector.broadcast %div3A_42 : f32 to vector<2000x1xf32>
    %div3A_44 = arith.divf %broadcast_in_dim3A_41, %div3A_43 : vector<2000x1xf32>
    %sub3A_45 = vector.broadcast %div3A_34 : vector<2000x1xf32> to vector<2000x128xf32>
    %sub3A_46 = arith.subf %max3A_30, %sub3A_45 : vector<2000x128xf32>
    %add3A_47 = arith.constant 9.99999974E-6 : f32
    %add3A_48 = vector.broadcast %add3A_47 : f32 to vector<2000x1xf32>
    %add3A_49 = arith.addf %div3A_44, %add3A_48 : vector<2000x1xf32>
    %rsqrt3A = math.rsqrt %add3A_49 : vector<2000x1xf32>
    %mul3A_50 = vector.broadcast %rsqrt3A : vector<2000x1xf32> to vector<2000x128xf32>
    %mul3A_51 = arith.mulf %sub3A_46, %mul3A_50 : vector<2000x128xf32>
    %get3A_52 = arith.constant 0 : index
    %get3A_53 = arith.constant 0 : index
    %get3A_54 = vector.load %arg7[%get3A_52, %get3A_53] : memref<1x128xf32, #tpu.memory_space<vmem>>, vector<1x128xf32>
    %mul3A_55 = vector.broadcast %get3A_54 : vector<1x128xf32> to vector<2000x128xf32>
    %mul3A_56 = arith.mulf %mul3A_51, %mul3A_55 : vector<2000x128xf32>
    %get3A_57 = arith.constant 0 : index
    %get3A_58 = arith.constant 0 : index
    %get3A_59 = vector.load %arg8[%get3A_57, %get3A_58] : memref<1x128xf32, #tpu.memory_space<vmem>>, vector<1x128xf32>
    %add3A_60 = vector.broadcast %get3A_59 : vector<1x128xf32> to vector<2000x128xf32>
    %add3A_61 = arith.addf %mul3A_56, %add3A_60 : vector<2000x128xf32>
    %get3A_62 = arith.constant 0 : index
    %get3A_63 = arith.constant 0 : index
    %get3A_64 = vector.load %arg10[%get3A_62, %get3A_63] : memref<128x128xf32, #tpu.memory_space<vmem>>, vector<128x128xf32>
    %dot_general3A = arith.constant dense<0.000000e+00> : vector<2000x128xf32>
    %dot_general3A_65 = tpu.matmul %add3A_61, %get3A_64, %dot_general3A {dimension_numbers = #tpu.dot_dimension_numbers<[1], [1], [0], [0], [0, 0, 1, 0], [], []>, precision = #tpu.contract_precision<fp32>, transpose_lhs_hint = false} : vector<2000x128xf32>, vector<128x128xf32>, vector<2000x128xf32> -> vector<2000x128xf32>
    %swap3A = arith.constant 0 : index
    %swap3A_66 = arith.constant 0 : index
    %swap3A_67 = vector.load %arg13[%swap3A, %swap3A_66] : memref<2000x128xf32, #tpu.memory_space<vmem>>, vector<2000x128xf32>
    tpu.vector_store %arg13[%swap3A, %swap3A_66], %dot_general3A_65 {strides = array<i32>} : memref<2000x128xf32, #tpu.memory_space<vmem>>, vector<2000x128xf32>,
    %get3A_68 = arith.constant 0 : index
    %get3A_69 = arith.constant 0 : index
    %get3A_70 = vector.load %arg11[%get3A_68, %get3A_69] : memref<128x128xf32, #tpu.memory_space<vmem>>, vector<128x128xf32>
    %dot_general3A_71 = arith.constant dense<0.000000e+00> : vector<2000x128xf32>
    %dot_general3A_72 = tpu.matmul %add3A_61, %get3A_70, %dot_general3A_71 {dimension_numbers = #tpu.dot_dimension_numbers<[1], [1], [0], [0], [0, 0, 1, 0], [], []>, precision = #tpu.contract_precision<fp32>, transpose_lhs_hint = false} : vector<2000x128xf32>, vector<128x128xf32>, vector<2000x128xf32> -> vector<2000x128xf32>
    %get3A_73 = arith.constant 0 : index
    %get3A_74 = arith.constant 0 : index
    %get3A_75 = vector.load %arg12[%get3A_73, %get3A_74] : memref<1x128xf32, #tpu.memory_space<vmem>>, vector<1x128xf32>
    %add3A_76 = vector.broadcast %get3A_75 : vector<1x128xf32> to vector<2000x128xf32>
    %add3A_77 = arith.addf %dot_general3A_72, %add3A_76 : vector<2000x128xf32>
    %swap3A_78 = arith.constant 0 : index
    %swap3A_79 = arith.constant 0 : index
    %swap3A_80 = vector.load %arg14[%swap3A_78, %swap3A_79] : memref<2000x128xf32, #tpu.memory_space<vmem>>, vector<2000x128xf32>
    tpu.vector_store %arg14[%swap3A_78, %swap3A_79], %add3A_77 {strides = array<i32>} : memref<2000x128xf32, #tpu.memory_space<vmem>>, vector<2000x128xf32>,
    %get3A_81 = arith.constant 0 : index
    %get3A_82 = arith.constant 0 : index
    %get3A_83 = vector.load %arg6[%get3A_81, %get3A_82] : memref<2000x128xf32, #tpu.memory_space<vmem>>, vector<2000x128xf32>
    %get3A_84 = arith.constant 0 : index
    %get3A_85 = arith.constant 0 : index
    %get3A_86 = vector.load %arg9[%get3A_84, %get3A_85] : memref<128x128xf32, #tpu.memory_space<vmem>>, vector<128x128xf32>
    %dot_general3A_87 = arith.constant dense<0.000000e+00> : vector<2000x128xf32>
    %dot_general3A_88 = tpu.matmul %add3A_61, %get3A_86, %dot_general3A_87 {dimension_numbers = #tpu.dot_dimension_numbers<[1], [1], [0], [0], [0, 0, 1, 0], [], []>, precision = #tpu.contract_precision<fp32>, transpose_lhs_hint = false} : vector<2000x128xf32>, vector<128x128xf32>, vector<2000x128xf32> -> vector<2000x128xf32>
    %add3A_89 = arith.addf %get3A_83, %dot_general3A_88 : vector<2000x128xf32>
    %swap3A_90 = arith.constant 0 : index
    %swap3A_91 = arith.constant 0 : index
    %swap3A_92 = vector.load %arg15[%swap3A_90, %swap3A_91] : memref<2000x128xf32, #tpu.memory_space<vmem>>, vector<2000x128xf32>
    tpu.vector_store %arg15[%swap3A_90, %swap3A_91], %add3A_89 {strides = array<i32>} : memref<2000x128xf32, #tpu.memory_space<vmem>>, vector<2000x128xf32>,
    return
  }
  func.func @transform_0(%arg0: i32) -> (i32, i32) {
    %c0_i32 = arith.constant 0 : i32
    %c0_i32_0 = arith.constant 0 : i32
    return %arg0, %c0_i32 : i32, i32
  }
  func.func @transform_1(%arg0: i32) -> (i32, i32) {
    %c0_i32 = arith.constant 0 : i32
    %c0_i32_0 = arith.constant 0 : i32
    return %arg0, %c0_i32 : i32, i32
  }
  func.func @transform_2(%arg0: i32) -> (i32, i32) {
    %c0_i32 = arith.constant 0 : i32
    %c0_i32_0 = arith.constant 0 : i32
    return %arg0, %c0_i32 : i32, i32
  }
  func.func @transform_3(%arg0: i32) -> (i32, i32) {
    %c0_i32 = arith.constant 0 : i32
    %c0_i32_0 = arith.constant 0 : i32
    return %arg0, %c0_i32 : i32, i32
  }
  func.func @transform_4(%arg0: i32) -> (i32, i32) {
    %c0_i32 = arith.constant 0 : i32
    %c0_i32_0 = arith.constant 0 : i32
    return %arg0, %c0_i32 : i32, i32
  }
  func.func @transform_5(%arg0: i32) -> (i32, i32) {
    %c0_i32 = arith.constant 0 : i32
    %c0_i32_0 = arith.constant 0 : i32
    return %arg0, %c0_i32 : i32, i32
  }
  func.func @transform_6(%arg0: i32) -> (i32, i32) {
    %c0_i32 = arith.constant 0 : i32
    %c0_i32_0 = arith.constant 0 : i32
    %c0_i32_1 = arith.constant 0 : i32
    return %c0_i32, %c0_i32_0 : i32, i32
  }
  func.func @transform_7(%arg0: i32) -> (i32, i32) {
    %c0_i32 = arith.constant 0 : i32
    %c0_i32_0 = arith.constant 0 : i32
    %c0_i32_1 = arith.constant 0 : i32
    return %c0_i32, %c0_i32_0 : i32, i32
  }
  func.func @transform_8(%arg0: i32) -> (i32, i32) {
    %c0_i32 = arith.constant 0 : i32
    %c0_i32_0 = arith.constant 0 : i32
    %c0_i32_1 = arith.constant 0 : i32
    return %c0_i32, %c0_i32_0 : i32, i32
  }
  func.func @transform_9(%arg0: i32) -> (i32, i32) {
    %c0_i32 = arith.constant 0 : i32
    %c0_i32_0 = arith.constant 0 : i32
    %c0_i32_1 = arith.constant 0 : i32
    return %c0_i32, %c0_i32_0 : i32, i32
  }
  func.func @transform_10(%arg0: i32) -> (i32, i32) {
    %c0_i32 = arith.constant 0 : i32
    %c0_i32_0 = arith.constant 0 : i32
    %c0_i32_1 = arith.constant 0 : i32
    return %c0_i32, %c0_i32_0 : i32, i32
  }
  func.func @transform_11(%arg0: i32) -> (i32, i32) {
    %c0_i32 = arith.constant 0 : i32
    %c0_i32_0 = arith.constant 0 : i32
    %c0_i32_1 = arith.constant 0 : i32
    return %c0_i32, %c0_i32_0 : i32, i32
  }
  func.func @transform_12(%arg0: i32) -> (i32, i32) {
    %c0_i32 = arith.constant 0 : i32
    %c0_i32_0 = arith.constant 0 : i32
    return %arg0, %c0_i32 : i32, i32
  }
  func.func @transform_13(%arg0: i32) -> (i32, i32) {
    %c0_i32 = arith.constant 0 : i32
    %c0_i32_0 = arith.constant 0 : i32
    return %arg0, %c0_i32 : i32, i32
  }
  func.func @transform_14(%arg0: i32) -> (i32, i32) {
    %c0_i32 = arith.constant 0 : i32
    %c0_i32_0 = arith.constant 0 : i32
    return %arg0, %c0_i32 : i32, i32
  }
}

</mosaic_0001>

<sc_bundles>
// kernel: closed_call.15.cloned.1.call-start
scs
__scs_entry_jumppad:
0x0: {  	(pc) =	sbr.rel $0x88, $3  }
0x1: {  	(tag) =	ssettag $0x0;
	lr =	simm.s32 $0x1  }
0x2: {  	[smem:$0x3F8E] =	sst lr;
	_ =	strace $0xD0000000  }
0x3: {  	_ = 	snop  }
0x4: {  	_ = 	snop  }
0x5: {  	_ = 	snop  }
0x6: {  	_ = 	snop  }
0x7: {  	_ = 	snop  }
__scs_overlays_trampoline_lowered:
0x8: {  	[smem:$0x3F9D] =	sst s0  }
0x9: {  	[smem:$0x3F9E] =	sst s1  }
0xa: {  	[smem:$0x3F9F] =	sst s2  }
0xb: {  	[smem:$0x3FA0] =	sst s3  }
0xc: {  	[smem:$0x3FA1] =	sst s4  }
0xd: {  	[smem:$0x3FA2] =	sst s5  }
0xe: {  	[smem:$0x3FA3] =	sst s6  }
0xf: {  	[smem:$0x3FA4] =	sst s7  }
0x10: {  	[smem:$0x3FA5] =	sst s8  }
0x11: {  	[smem:$0x3FA6] =	sst s9;
	s0 =	simm.s32 @!p0 $0x0  }
0x12: {  	s1 =	sld [smem:$0x3F8C];
	s0 =	simm.s32 @p0 $0x1  }
0x13: {  	[smem:$0x3FA7] =	sst s0;
	s0 =	simm.s32 @!p1 $0x0  }
0x14: {  	s2 =	sld [smem:$0x3F8B];
	s0 =	simm.s32 @p1 $0x1  }
0x15: {  	[smem:$0x3FA8] =	sst s0;
	s0 =	simm.s32 @!p2 $0x0  }
0x16: {  	s3 =	sld [smem:$0x3FDB];
	s0 =	simm.s32 @p2 $0x1  }
0x17: {  	s4 =	simm.s32 $0x1BF5;
	[smem:$0x3FAA] =	sst s0  }
0x18: {  	s0 =	sld [smem:$0x3F8D];
	_ =	swait.ge [sflag:s4], $0x0  }
0x19: {  	s7 =	sld [smem:$0x3F8E]  }
0x1a: {  	s8 =	sadd.s32 $0xFFFFE003, lr  }
0x1b: {  	s9 =	sadd.s32 $0xFFFFFEF7, lr;
	s5 =	simm.s32 $0xFFFFFFFF;
	p2 =	slt.u32 s8, $0xFFFFF086  }
0x1c: {  	p1 =	slt.u32 s9, $0xF7A;
	s5 =	simm.s32 @!p2 $0x0  }
0x1d: {  	s5 =	simm.s32 @p1 $0x1;
	p0 =	seq.s32 s7, s2  }
0x1e: {  	s7 =	smul.u32 @!p0 $0xF7A, s2;
	p2 =	seq.s32 @!p0 s5, $0x0  }
0x1f: {  	s9 =	smul.u32 $0xF7A, s1;
	s8 =	simm.s32 @!p0 $0x1BF5;
	p2 =	por !p2, p0  }
0x20: {  	[sflag:s8] =	ssyncset.s32 @!p0 $0xFFFFF086;
	s6 =	sadd.s32 @!p0 s3, s7;
	s7 =	simm.s32 @!p0 $0x108  }
0x21: {  	s3 =	sadd.s32 s3, s9;
	s6 =	sadd.s32 @!p0 $0x88, s6;
	s7 =	simm.s32 @p2 $0x1082  }
0x22: {  	[simem:s7], [sflag:s8] =	dma.local @!p0 [hbm:s6], $0xF7A  }
0x23: {  	s9 =	sor.u32 $0xD0000000, s2;
	s6 =	simm.s32 $0x108;
	_ =	swait.ge @!p0 [sflag:s8], $0x0  }
0x24: {  	s3 =	sadd.s32 $0x88, s3;
	s6 =	simm.s32 @!p1 $0x1082;
	[sflag:s4] =	ssyncset.s32 $0xFFFFF086  }
0x25: {  	[simem:s6], [sflag:s4] =	dma.local [hbm:s3], $0xF7A  }
0x26: {  	[smem:$0x3F8E] =	sst s1;
	(tag) =	ssettag s2;
	_ =	strace s9  }
0x27: {  	s1 =	sld [smem:$0x3F9E]  }
0x28: {  	s2 =	sld [smem:$0x3F9F]  }
0x29: {  	s4 =	sld [smem:$0x3FA1]  }
0x2a: {  	p0 =	seq.s32 s5, $0x0;
	s5 =	sld [smem:$0x3FA2]  }
0x2b: {  	s6 =	sld [smem:$0x3FA3]  }
0x2c: {  	s7 =	sld [smem:$0x3FA4]  }
0x2d: {  	s3 =	simm.s32 $0x108;
	s8 =	sld [smem:$0x3FA5]  }
0x2e: {  	s3 =	simm.s32 @!p0 $0x1082;
	s9 =	sld [smem:$0x3FA6]  }
0x2f: {  	lr =	sadd.s32 s0, s3;
	s0 =	sld [smem:$0x3F9D]  }
0x30: {  	s3 =	sld [smem:$0x3FA0]  }
0x31: {  	[smem:$0x3FA9] =	sst s10  }
0x32: {  	s10 =	sld [smem:$0x3FA7];
	_ =	sdelay $0x3  }
0x33: {  	p0 =	seq.s32 s10, $0x1;
	s10 =	sld [smem:$0x3FA9];
	_ =	sdelay $0x3  }
0x34: {  	[smem:$0x3FA9] =	sst s10  }
0x35: {  	s10 =	sld [smem:$0x3FA8];
	_ =	sdelay $0x3  }
0x36: {  	p1 =	seq.s32 s10, $0x1;
	s10 =	sld [smem:$0x3FA9];
	_ =	sdelay $0x3  }
0x37: {  	[smem:$0x3FA9] =	sst s10  }
0x38: {  	s10 =	sld [smem:$0x3FAA]  }
0x39: {  	_ = 	snop;
	(pc) =	sbr.ind lr, $3  }
0x3a: {  	_ = 	snop  }
0x3b: {  	_ = 	snop  }
0x3c: {  	p2 =	seq.s32 s10, $0x1;
	s10 =	sld [smem:$0x3FA9]  }
0x3d: {  	_ =	shalt  }
0x3e: {  	_ =	shalt  }
0x3f: {  	_ =	shalt  }
0x40: {  	_ =	shalt  }
0x41: {  	_ =	shalt  }
0x42: {  	_ =	shalt  }
0x43: {  	_ =	shalt  }
0x44: {  	_ =	shalt  }
0x45: {  	_ =	shalt  }
0x46: {  	_ =	shalt  }
0x47: {  	_ =	shalt  }
0x48: {  	_ =	shalt  }
0x49: {  	_ =	shalt  }
0x4a: {  	_ =	shalt  }
0x4b: {  	_ =	shalt  }
0x4c: {  	_ =	shalt  }
0x4d: {  	_ =	shalt  }
0x4e: {  	_ =	shalt  }
0x4f: {  	_ =	shalt  }
0x50: {  	_ =	shalt  }
0x51: {  	_ =	shalt  }
0x52: {  	_ =	shalt  }
0x53: {  	_ =	shalt  }
0x54: {  	_ =	shalt  }
0x55: {  	_ =	shalt  }
0x56: {  	_ =	shalt  }
0x57: {  	_ =	shalt  }
0x58: {  	_ =	shalt  }
0x59: {  	_ =	shalt  }
0x5a: {  	_ =	shalt  }
0x5b: {  	_ =	shalt  }
0x5c: {  	_ =	shalt  }
0x5d: {  	_ =	shalt  }
0x5e: {  	_ =	shalt  }
0x5f: {  	_ =	shalt  }
0x60: {  	_ =	shalt  }
0x61: {  	_ =	shalt  }
0x62: {  	_ =	shalt  }
0x63: {  	_ =	shalt  }
0x64: {  	_ =	shalt  }
0x65: {  	_ =	shalt  }
0x66: {  	_ =	shalt  }
0x67: {  	_ =	shalt  }
0x68: {  	_ =	shalt  }
0x69: {  	_ =	shalt  }
0x6a: {  	_ =	shalt  }
0x6b: {  	_ =	shalt  }
0x6c: {  	_ =	shalt  }
0x6d: {  	_ =	shalt  }
0x6e: {  	_ =	shalt  }
0x6f: {  	_ =	shalt  }
0x70: {  	_ =	shalt  }
0x71: {  	_ =	shalt  }
0x72: {  	_ =	shalt  }
0x73: {  	_ =	shalt  }
0x74: {  	_ =	shalt  }
0x75: {  	_ =	shalt  }
0x76: {  	_ =	shalt  }
0x77: {  	_ =	shalt  }
0x78: {  	_ =	shalt  }
0x79: {  	_ =	shalt  }
0x7a: {  	_ =	shalt  }
0x7b: {  	_ =	shalt  }
0x7c: {  	_ =	shalt  }
0x7d: {  	_ =	shalt  }
0x7e: {  	_ =	shalt  }
0x7f: {  	_ =	shalt  }
0x80: {  	_ =	shalt  }
0x81: {  	_ =	shalt  }
0x82: {  	_ =	shalt  }
0x83: {  	_ =	shalt  }
0x84: {  	_ =	shalt  }
0x85: {  	_ =	shalt  }
0x86: {  	_ =	shalt  }
0x87: {  	_ =	shalt  }
.Lfunc_end0:
.L_simem_size_0:
called_computation_lowered:
.L_overlay_start_0:
0x88: {  	s2 =	sld [smem:$0x3FD9]  }
0x89: {  	s3 =	sld [smem:$0x3FFE];
	_ =	sdelay $0x1  }
0x8a: {  	s1 =	srdreg.scid  }
0x8b: {  	s0 =	sand.u32 $0x1, s1  }
0x8c: {  	s16 =	sshll.u32 s0, $0xA;
	s2 =	sadd.s32 s3, s2  }
0x8d: {  	s2 =	sadd.s32 s2, s16  }
0x8e: {  	[smem:$0x3FB5] =	sst s2  }
0x8f: {  	_ = 	snop  }
0x90: {  	(tm) =	ssettm $0x1  }
0x91: {  	s17 =	sld [smem:$0x3FFB];
	_ =	sdelay $0x3  }
0x92: {  	_ =	strace s17  }
0x93: {  	s2 =	sld [smem:$0x3FFC];
	_ =	sdelay $0x3  }
0x94: {  	_ =	strace s2  }
0x95: {  	s2 =	sld [smem:$0x3FFD];
	_ =	sdelay $0x3  }
0x96: {  	_ =	strace s2  }
0x97: {  	_ =	strace $0x8FFFFFFF  }
0x98: {  	s18 =	sld [smem:$0x3FDB];
	_ =	sdelay $0x1  }
0x99: {  	s19 =	simm.s32 $_scs_section_size  }
0x9a: {  	s4 =	simm.s32 $_size__tile_overlayer_lowered;
	s5 =	simm.s32 $_tile_overlayer_lowered  }
0x9b: {  	s22 =	simm.s32 $0x1BFF;
	s21 =	sshll.u32 s5, $0x1;
	s2 =	sadd.s32 s19, s18  }
0x9c: {  	s6 =	simm.s32 $0x0;
	s20 =	sshll.u32 s4, $0x1;
	s4 =	sadd.s32 s21, s2  }
0x9d: {  	[timem:s6], [sflag:s22] =	dma.local [hbm:s4], s20  }
0x9e: {  	_ =	swait.ge [sflag:s22], s20  }
0x9f: {  	s3 =	ssub.s32 $0x0, s20;
	[sflag:s22] =	ssyncset.done $0x0  }
0xa0: {  	[sflag:s22] =	ssyncadd.s32 s3;
	_ =	sdelay $0x1  }
0xa1: {  	s23 =	simm.s32 $0x1B8B  }
0xa2: {  	_ =	swait.ge [sflag:s23], $0x1  }
0xa3: {  	[sflag:s23] =	ssyncset.done $0x0  }
0xa4: {  	s25 =	simm.s32 $0x1B8E;
	s24 =	sld [smem:$0x3FFE];
	[sflag:s23] =	ssyncadd.s32 $0xFFFFFFFF  }
0xa5: {  	s26 =	simm.s32 $execute0_lowered;
	[smem:$0x3FD2] =	sst s25  }
0xa6: {  	s4 =	sshll.u32 s26, $0x1;
	_ =	strace $0x80000049;
	[dreg:$0x1] =	wrdreg $0xFFFFFFFF  }
0xa7: {  	s28 =	simm.s32 $_size_execute0_lowered;
	s2 =	sadd.s32 s2, s4;
	[dreg:$0x0] =	wrdreg $0x0  }
0xa8: {  	s4 =	sshll.u32 s28, $0x1;
	[dreg:$0x2] =	wrdreg s2  }
0xa9: {  	[dreg:$0x3] =	wrdreg s4  }
0xaa: {  	[dreg:$0x4] =	wrdreg $0xC0  }
0xab: {  	_ =	task [dreg:s6], $0x5FFFF  }
0xac: {  	[dreg:$0x1] =	wrdreg $0xFFFFFFFF  }
0xad: {  	[dreg:$0x0] =	wrdreg $0x60  }
0xae: {  	[dreg:$0x2] =	wrdreg s24  }
0xaf: {  	[dreg:$0x3] =	wrdreg $0xC0000  }
0xb0: {  	[dreg:$0x4] =	wrdreg $0x9  }
0xb1: {  	_ =	task.clear_ibuf [dreg:s6], $0x5FFFF;
	_ =	strace $0x90000049  }
0xb2: {  	s29 =	simm.s32 $0x9;
	_ =	strace $0x8000004B  }
0xb3: {  	_ =	swait.ge [sflag:s29], $0x1  }
0xb4: {  	[sflag:s29] =	ssyncadd.s32 $0xFFFFFFFF  }
0xb5: {  	_ =	strace $0x9000004B  }
0xb6: {  	_ =	sfence  }
0xb7: {  	s30 =	sld [smem:$0x0];
	_ =	sdelay $0x2  }
0xb8: {  	s31 =	sshll.u32 s1, $0xD;
	s1 =	sshrl.u32 s1, $0x2  }
0xb9: {  	s3 =	sand.u32 $0x4000, s31;
	s1 =	sadd.s32 s1, s30  }
0xba: {  	s0 =	sor.u32 s3, s0;
	s1 =	sshll.u32 s1, $0x11  }
0xbb: {  	s0 =	sor.u32 s1, s0  }
0xbc: {  	s0 =	sadd.s32 $0x8F2B, s0  }
0xbd: {  	[sflag:s0] =	ssyncadd.remote.s32 $0x1  }
0xbe: {  	_ =	sfence.sel $0xFFFF  }
0xbf: {  	[dreg:$0x0] =	wrdreg $0xFFFFFFFF;
	(pc) =	sbr.abs _section_cstart, $3  }
0xc0: {  	[dreg:$0x1] =	wrdreg $0xFFFFFFFF  }
0xc1: {  	_ =	task.clear_ibuf [dreg:s6], $0x2FFFF;
	_ =	strace $0x9FFFFFFF  }
0xc2: {  	(tm) =	ssettm $0x7FFFFFFF  }
0xc3: {  	_ =	shalt  }
tec
execute0_lowered:
.L_overlay_start_1:
0x0: {  	(tag) =	ssettag $0x1  }
0x1: {  	s0 =	rddreg [dreg:$0x0]  }
0x2: {  	s1 =	rddreg [dreg:$0x1];
	s11 =	stileid.u32  }
0x3: {  	s2 =	srdreg.scid;
	s3 =	simm.s32 $0x0;
	s6 =	smul.u32 $0x14000, s11  }
0x4: {  	s28 =	simm.s32 $0x9800;
	s2 =	sand.u32 $0x1, s2;
	s8 =	smul.u32 $0x8C00, s11  }
0x5: {  	s29 =	simm.s32 $0x4;
	s30 =	simm.s32 $0x2;
	s5 =	smul.u32 $0x140000, s2  }
0x6: {  	s31 =	simm.s32 $0x1880;
	[smem:$0x7FF] =	sst s3;
	s11 =	smul.u32 $0x50000, s11  }
0x7: {  	s7 =	smul.u32 $0x8C000, s2;
	s9 =	sxor.u32 $0x1, s2;
	s5 =	sadd.s32 s6, s5  }
0x8: {  	s4 =	sadd.s32 $0x28800, s0;
	s9 =	smul.u32 $0x8C000, s9;
	s6 =	sshrl.u32 s5, $0x3  }
0x9: {  	s16 =	sshrl.u32 s11, $0x2;
	s5 =	sadd.s32 $0x4600, s0;
	s0 =	sadd.s32 s6, s0  }
0xa: {  	s6 =	sadd.s32 s8, s7;
	s7 =	sadd.s32 s8, s9;
	s8 =	sadd.s32 s16, s1  }
0xb: {  	_ =	strace $0x8000004A;
	s2 =	ssub.s32 $0x2, s2;
	s20 =	sadd.s32 $0x2800, s8  }
0xc: {  	s10 =	sshrl.u32 s2, $0x1;
	s21 =	sadd.s32 $0x5000, s8;
	[dreg:$0x5] =	wrdreg s20  }
0xd: {  	s11 =	simm.s32 $0x6C80;
	s22 =	sadd.s32 $0x7800, s8;
	[dreg:$0x6] =	wrdreg s21  }
0xe: {  	s2 =	ssub.s32 s2, s10;
	s23 =	sadd.s32 $0xA000, s8;
	[dreg:$0x7] =	wrdreg s22  }
0xf: {  	s10 =	simm.s32 $0x6C00;
	s24 =	sadd.s32 $0xC800, s8;
	[dreg:$0x8] =	wrdreg s23  }
0x10: {  	s17 =	sshrl.u32 s6, $0x3;
	s25 =	sadd.s32 $0xF000, s8;
	[dreg:$0x9] =	wrdreg s24  }
0x11: {  	s18 =	sshrl.u32 s7, $0x3;
	s26 =	sadd.s32 $0x11800, s8;
	[dreg:$0xa] =	wrdreg s25  }
0x12: {  	s0 =	sadd.s32 $0x76C00, s0;
	s9 =	sadd.s32 s5, s17;
	[dreg:$0xb] =	wrdreg s26  }
0x13: {  	s19 =	sadd.s32 s5, s18;
	[dreg:$0xc] =	wrdreg s0;
	s20 =	simm.s32 $0x1C00  }
0x14: {  	s21 =	simm.s32 $0x7000;
	s22 =	simm.s32 $0x1;
	s23 =	simm.s32 $0x3  }
0x15: {  	s24 =	simm.s32 $0x3800;
	s25 =	simm.s32 $0x5400;
	[dreg:$0x3] =	wrdreg s9  }
0x16: {  	s26 =	simm.s32 $0x50;
	s0 =	simm.s32 $0x3400;
	[dreg:$0x4] =	wrdreg s19  }
0x17: {  	v0 =	vimm.f32 $0.0e+00;
	s19 =	smax.u32 s2, $0x1;
	s2 =	simm.s32 $0x3480;
	s9 =	simm.s32 $0x5080  }
.LBB2_1:
0x18: {  	s12 =	simm.s32 $0x70;
	s13 =	simm.s32 $0x3C0  }
.LBB2_2:
0x19: {  	p0 =	sne.s32 s13, $0x9FC0;
	[tilespmem:s12+$0x7000] =	vst v0  }
0x1a: {  	[tilespmem:s12+$0x6F90] =	vst v0  }
0x1b: {  	[tilespmem:s12+$0x6FA0] =	vst v0  }
.Ltmp0:
0x1c: {  	[tilespmem:s12+$0x6FB0] =	vst v0;
	(pc) =	sbr.rel @p0 .LBB2_2-.Ltmp0, $4  }
0x1d: {  	[tilespmem:s12+$0x6FC0] =	vst v0  }
0x1e: {  	[tilespmem:s12+$0x6FD0] =	vst v0  }
0x1f: {  	[tilespmem:s12+$0x6FE0] =	vst v0  }
0x20: {  	[tilespmem:s12+$0x6FF0] =	vst v0;
	s12 =	sshra.s32 s13, $0x2;
	s13 =	sadd.s32 $0x200, s13  }
0x21: {  	[tilespmem:s12+$0x7000] =	vst v0  }
0x22: {  	[tilespmem:s12+$0x6F90] =	vst v0  }
0x23: {  	[tilespmem:s12+$0x6FA0] =	vst v0  }
0x24: {  	[tilespmem:s12+$0x6FB0] =	vst v0  }
0x25: {  	[tilespmem:s12+$0x6FC0] =	vst v0  }
0x26: {  	[tilespmem:s12+$0x6FD0] =	vst v0  }
0x27: {  	[tilespmem:s12+$0x6FE0] =	vst v0  }
0x28: {  	[tilespmem:s12+$0x6FF0] =	vst v0;
	s12 =	simm.s32 $0x0;
	s13 =	rddreg [dreg:$0x3]  }
0x29: {  	[tilespmem:s12], [sflag:$0x3] =	stream.linear.gather [hbm4b:s13+s12], $0x1900, $0x38;
	v63 =	vld [tilespmem:$0x0]  }
0x2a: {  	s16 =	rddreg [dreg:$0x4]  }
0x2b: {  	[tilespmem:s20], [sflag:$0x3] =	stream.linear.gather [hbm4b:s16+s12], $0x1900, $0x38;
	v63 =	vld [tilespmem:$0x0]  }
0x2c: {  	_ = 	snop  }
0x2d: {  	[spmem:s8] =	stream.linear.scatter [tilespmem:s21], [sflag:$0x1], $0x2800, $0x38;
	v63 =	vld [tilespmem:$0x0]  }
0x2e: {  	s17 =	rddreg [dreg:$0x5]  }
0x2f: {  	[spmem:s17] =	stream.linear.scatter [tilespmem:s21], [sflag:$0x1], $0x2800, $0x38;
	v63 =	vld [tilespmem:$0x0]  }
0x30: {  	s18 =	rddreg [dreg:$0x6]  }
0x31: {  	[spmem:s18] =	stream.linear.scatter [tilespmem:s21], [sflag:$0x1], $0x2800, $0x38;
	v63 =	vld [tilespmem:$0x0]  }
0x32: {  	s14 =	rddreg [dreg:$0x7]  }
0x33: {  	[spmem:s14] =	stream.linear.scatter [tilespmem:s21], [sflag:$0x1], $0x2800, $0x38;
	v63 =	vld [tilespmem:$0x0]  }
0x34: {  	s15 =	rddreg [dreg:$0x8]  }
0x35: {  	[spmem:s15] =	stream.linear.scatter [tilespmem:s21], [sflag:$0x1], $0x2800, $0x38;
	v63 =	vld [tilespmem:$0x0]  }
0x36: {  	s16 =	rddreg [dreg:$0x9]  }
0x37: {  	[spmem:s16] =	stream.linear.scatter [tilespmem:s21], [sflag:$0x1], $0x2800, $0x38;
	v63 =	vld [tilespmem:$0x0]  }
0x38: {  	s17 =	rddreg [dreg:$0xa]  }
0x39: {  	[spmem:s17] =	stream.linear.scatter [tilespmem:s21], [sflag:$0x1], $0x2800, $0x38;
	v63 =	vld [tilespmem:$0x0]  }
0x3a: {  	s18 =	rddreg [dreg:$0xb]  }
0x3b: {  	[spmem:s18] =	stream.linear.scatter [tilespmem:s21], [sflag:$0x1], $0x2800, $0x38;
	v63 =	vld [tilespmem:$0x0]  }
0x3c: {  	_ =	swait.ge [sflag:s22], $0x2800  }
0x3d: {  	[sflag:s22] =	ssyncset.done $0x0  }
0x3e: {  	[sflag:s22] =	ssyncadd.s32 $0xFFFFD800  }
0x3f: {  	_ =	swait.ge [sflag:s22], $0x2800  }
0x40: {  	[sflag:s22] =	ssyncset.done $0x0  }
0x41: {  	[sflag:s22] =	ssyncadd.s32 $0xFFFFD800  }
0x42: {  	_ =	swait.ge [sflag:s22], $0x2800  }
0x43: {  	[sflag:s22] =	ssyncset.done $0x0  }
0x44: {  	[sflag:s22] =	ssyncadd.s32 $0xFFFFD800  }
0x45: {  	_ =	swait.ge [sflag:s22], $0x2800  }
0x46: {  	[sflag:s22] =	ssyncset.done $0x0  }
0x47: {  	[sflag:s22] =	ssyncadd.s32 $0xFFFFD800  }
0x48: {  	_ =	swait.ge [sflag:s22], $0x2800  }
0x49: {  	[sflag:s22] =	ssyncset.done $0x0  }
0x4a: {  	[sflag:s22] =	ssyncadd.s32 $0xFFFFD800  }
0x4b: {  	_ =	swait.ge [sflag:s22], $0x2800  }
0x4c: {  	[sflag:s22] =	ssyncset.done $0x0  }
0x4d: {  	[sflag:s22] =	ssyncadd.s32 $0xFFFFD800  }
0x4e: {  	_ =	swait.ge [sflag:s22], $0x2800  }
0x4f: {  	[sflag:s22] =	ssyncset.done $0x0  }
0x50: {  	[sflag:s22] =	ssyncadd.s32 $0xFFFFD800  }
0x51: {  	_ =	swait.ge [sflag:s22], $0x2800  }
0x52: {  	[sflag:s22] =	ssyncset.done $0x0  }
0x53: {  	[sflag:s22] =	ssyncadd.s32 $0xFFFFD800  }
0x54: {  	[bflag:$0x0] =	sbarrier.arrive $0xFFFF  }
0x55: {  	_ =	swait.ge [sflag:s23], $0x1900  }
0x56: {  	[sflag:s23] =	ssyncset.done $0x0  }
0x57: {  	[sflag:s23] =	ssyncadd.s32 $0xFFFFE700  }
0x58: {  	_ =	swait.ge [sflag:s23], $0x1900  }
0x59: {  	[sflag:s23] =	ssyncset.done $0x0  }
0x5a: {  	p1 =	por $0x1, $0x1;
	s13 =	simm.s32 $0x0;
	[sflag:s23] =	ssyncadd.s32 $0xFFFFE700  }
.LBB2_4:
0x5b: {  	s14 =	sadd.s32 $0x1C00, s13  }
0x5c: {  	s15 =	sadd.s32 s6, s14  }
0x5d: {  	s14 =	sadd.s32 s7, s14;
	s15 =	sshrl.u32 s15, $0x3  }
0x5e: {  	s14 =	sshrl.u32 s14, $0x3;
	s15 =	sadd.s32 s5, s15  }
0x5f: {  	[tilespmem:s24], [sflag:$0x3] =	stream.linear.gather [hbm4b:s15+s12], $0x1900, $0x38;
	v63 =	vld [tilespmem:$0x0]  }
0x60: {  	s14 =	sadd.s32 s5, s14  }
0x61: {  	[tilespmem:s25], [sflag:$0x3] =	stream.linear.gather [hbm4b:s14+s12], $0x1900, $0x38;
	v63 =	vld [tilespmem:$0x0]  }
0x62: {  	_ = 	snop  }
0x63: {  	[tilespmem:s21], [sflag:$0x1] =	stream.indirect.gather [hbm4b:s4+s26], $0x80, s12, s26, $0xb8;
	v63 =	vld [tilespmem:$0x0]  }
0x64: {  	s15 =	simm.s32 $0x80  }
0x65: {  	[tilespmem:s28], [sflag:$0x2] =	stream.indirect.gather [hbm4b:s4+s26], $0x80, s15, s26, $0xb8;
	v63 =	vld [tilespmem:$0x0]  }
0x66: {  	_ =	swait.ge [sflag:s22], $0x2800  }
0x67: {  	[sflag:s22] =	ssyncset.done $0x0  }
0x68: {  	s16 =	simm.s32 $0x1C00;
	[sflag:s22] =	ssyncadd.s32 $0xFFFFD800  }
0x69: {  	[spmem:s1] =	stream.indirect.scatter.add.f32 [tilespmem:s21], [sflag:$0x4], $0x80, s16, s26, $0xb8;
	v63 =	vld [tilespmem:$0x0]  }
0x6a: {  	_ =	swait.ge [sflag:s29], $0x2800  }
0x6b: {  	[sflag:s29] =	ssyncset.done $0x0  }
0x6c: {  	s17 =	simm.s32 $0x100;
	[sflag:s29] =	ssyncadd.s32 $0xFFFFD800  }
0x6d: {  	[tilespmem:s21], [sflag:$0x1] =	stream.indirect.gather [hbm4b:s4+s26], $0x80, s17, s26, $0xb8;
	v63 =	vld [tilespmem:$0x0]  }
0x6e: {  	_ =	swait.ge [sflag:s30], $0x2800  }
0x6f: {  	[sflag:s30] =	ssyncset.done $0x0  }
0x70: {  	s18 =	simm.s32 $0x1C80;
	[sflag:s30] =	ssyncadd.s32 $0xFFFFD800  }
0x71: {  	[spmem:s1] =	stream.indirect.scatter.add.f32 [tilespmem:s28], [sflag:$0x4], $0x80, s18, s26, $0xb8;
	v63 =	vld [tilespmem:$0x0]  }
0x72: {  	p0 =	por p1, p1;
	_ =	swait.ge [sflag:s29], $0x2800  }
0x73: {  	s14 =	simm.s32 $0x100;
	s15 =	simm.s32 $0x800;
	[sflag:s29] =	ssyncset.done $0x0  }
.LBB2_5:
0x74: {  	s16 =	sadd.s32 $0x80, s14  }
0x75: {  	[sflag:s29] =	ssyncadd.s32 $0xFFFFD800;
	s17 =	smov.u32 s15;
	s18 =	sadd.s32 $0x400, s15  }
0x76: {  	[tilespmem:s28], [sflag:$0x2] =	stream.indirect.gather [hbm4b:s4+s26], $0x80, s16, s26, $0xb8;
	v63 =	vld [tilespmem:$0x0]  }
0x77: {  	p1 =	sne.s32 s15, $0x5C00;
	_ =	swait.ge [sflag:s22], $0x2800  }
0x78: {  	[sflag:s22] =	ssyncset.done $0x0  }
0x79: {  	s15 =	sadd.s32 $0x1C00, s14;
	[sflag:s22] =	ssyncadd.s32 $0xFFFFD800  }
0x7a: {  	[spmem:s1] =	stream.indirect.scatter.add.f32 [tilespmem:s21], [sflag:$0x4], $0x80, s15, s26, $0xb8;
	v63 =	vld [tilespmem:$0x0]  }
0x7b: {  	_ =	swait.ge [sflag:s29], $0x2800  }
0x7c: {  	[sflag:s29] =	ssyncset.done $0x0  }
0x7d: {  	s15 =	sadd.s32 $0x100, s14;
	[sflag:s29] =	ssyncadd.s32 $0xFFFFD800  }
0x7e: {  	[tilespmem:s21], [sflag:$0x1] =	stream.indirect.gather [hbm4b:s4+s26], $0x80, s15, s26, $0xb8;
	v63 =	vld [tilespmem:$0x0]  }
0x7f: {  	_ =	swait.ge [sflag:s30], $0x2800  }
.Ltmp1:
0x80: {  	[sflag:s30] =	ssyncset.done $0x0;
	(pc) =	sbr.rel @p1 .LBB2_5-.Ltmp1, $4  }
0x81: {  	s14 =	sadd.s32 $0x1C80, s14;
	[sflag:s30] =	ssyncadd.s32 $0xFFFFD800  }
0x82: {  	[spmem:s1] =	stream.indirect.scatter.add.f32 [tilespmem:s28], [sflag:$0x4], $0x80, s14, s26, $0xb8;
	v63 =	vld [tilespmem:$0x0]  }
0x83: {  	_ =	swait.ge [sflag:s29], $0x2800  }
0x84: {  	s15 =	smov.u32 s18;
	s14 =	sshra.s32 s17, $0x2;
	[sflag:s29] =	ssyncset.done $0x0  }
0x85: {  	s15 =	sadd.s32 $0x80, s14;
	[sflag:s29] =	ssyncadd.s32 $0xFFFFD800  }
0x86: {  	[tilespmem:s28], [sflag:$0x2] =	stream.indirect.gather [hbm4b:s4+s26], $0x80, s15, s26, $0xb8;
	v63 =	vld [tilespmem:$0x0]  }
0x87: {  	_ =	swait.ge [sflag:s22], $0x2800  }
0x88: {  	[sflag:s22] =	ssyncset.done $0x0  }
0x89: {  	s17 =	sadd.s32 $0x1C00, s14;
	[sflag:s22] =	ssyncadd.s32 $0xFFFFD800  }
0x8a: {  	[spmem:s1] =	stream.indirect.scatter.add.f32 [tilespmem:s21], [sflag:$0x4], $0x80, s17, s26, $0xb8;
	v63 =	vld [tilespmem:$0x0]  }
0x8b: {  	_ =	swait.ge [sflag:s29], $0x2800  }
0x8c: {  	[sflag:s29] =	ssyncset.done $0x0  }
0x8d: {  	s18 =	sadd.s32 $0x100, s14;
	[sflag:s29] =	ssyncadd.s32 $0xFFFFD800  }
0x8e: {  	[tilespmem:s21], [sflag:$0x1] =	stream.indirect.gather [hbm4b:s4+s26], $0x80, s18, s26, $0xb8;
	v63 =	vld [tilespmem:$0x0]  }
0x8f: {  	_ =	swait.ge [sflag:s30], $0x2800  }
0x90: {  	[sflag:s30] =	ssyncset.done $0x0  }
0x91: {  	s16 =	sadd.s32 $0x1C80, s14;
	[sflag:s30] =	ssyncadd.s32 $0xFFFFD800  }
0x92: {  	[spmem:s1] =	stream.indirect.scatter.add.f32 [tilespmem:s28], [sflag:$0x4], $0x80, s16, s26, $0xb8;
	v63 =	vld [tilespmem:$0x0]  }
0x93: {  	_ =	swait.ge [sflag:s29], $0x2800  }
0x94: {  	[sflag:s29] =	ssyncset.done $0x0  }
0x95: {  	[sflag:s29] =	ssyncadd.s32 $0xFFFFD800  }
0x96: {  	[tilespmem:s28], [sflag:$0x2] =	stream.indirect.gather [hbm4b:s4+s26], $0x80, s31, s26, $0xb8;
	v63 =	vld [tilespmem:$0x0]  }
0x97: {  	_ =	swait.ge [sflag:s22], $0x2800  }
0x98: {  	[sflag:s22] =	ssyncset.done $0x0  }
0x99: {  	[sflag:s22] =	ssyncadd.s32 $0xFFFFD800  }
0x9a: {  	[spmem:s1] =	stream.indirect.scatter.add.f32 [tilespmem:s21], [sflag:$0x4], $0x80, s0, s26, $0xb8;
	v63 =	vld [tilespmem:$0x0]  }
0x9b: {  	_ =	swait.ge [sflag:s29], $0x2800  }
0x9c: {  	[sflag:s29] =	ssyncset.done $0x0  }
0x9d: {  	[sflag:s29] =	ssyncadd.s32 $0xFFFFD800  }
0x9e: {  	_ =	swait.ge [sflag:s30], $0x2800  }
0x9f: {  	[sflag:s30] =	ssyncset.done $0x0  }
0xa0: {  	[sflag:s30] =	ssyncadd.s32 $0xFFFFD800  }
0xa1: {  	[spmem:s1] =	stream.indirect.scatter.add.f32 [tilespmem:s28], [sflag:$0x4], $0x80, s2, s26, $0xb8;
	v63 =	vld [tilespmem:$0x0]  }
0xa2: {  	_ =	swait.ge [sflag:s29], $0x2800  }
0xa3: {  	[sflag:s29] =	ssyncset.done $0x0  }
0xa4: {  	[sflag:s29] =	ssyncadd.s32 $0xFFFFD800  }
0xa5: {  	_ =	swait.ge [sflag:s23], $0x1900  }
0xa6: {  	[sflag:s23] =	ssyncset.done $0x0  }
0xa7: {  	s13 =	sadd.s32 $0x3800, s13;
	[sflag:s23] =	ssyncadd.s32 $0xFFFFE700  }
0xa8: {  	s17 =	sadd.s32 s6, s13;
	s13 =	sadd.s32 s7, s13;
	_ =	swait.ge [sflag:s23], $0x1900  }
0xa9: {  	s14 =	sshrl.u32 s17, $0x3;
	s13 =	sshrl.u32 s13, $0x3;
	[sflag:s23] =	ssyncset.done $0x0  }
0xaa: {  	s14 =	sadd.s32 s5, s14;
	s18 =	simm.s32 $0x0;
	[sflag:s23] =	ssyncadd.s32 $0xFFFFE700  }
0xab: {  	[tilespmem:s18], [sflag:$0x3] =	stream.linear.gather [hbm4b:s14+s18], $0x1900, $0x38;
	v63 =	vld [tilespmem:$0x0]  }
0xac: {  	s13 =	sadd.s32 s5, s13  }
0xad: {  	[tilespmem:s20], [sflag:$0x3] =	stream.linear.gather [hbm4b:s13+s18], $0x1900, $0x38;
	v63 =	vld [tilespmem:$0x0]  }
0xae: {  	_ = 	snop  }
0xaf: {  	[tilespmem:s21], [sflag:$0x1] =	stream.indirect.gather [hbm4b:s4+s26], $0x80, s24, s26, $0xb8;
	v63 =	vld [tilespmem:$0x0]  }
0xb0: {  	s15 =	simm.s32 $0x3880  }
0xb1: {  	[tilespmem:s28], [sflag:$0x2] =	stream.indirect.gather [hbm4b:s4+s26], $0x80, s15, s26, $0xb8;
	v63 =	vld [tilespmem:$0x0]  }
0xb2: {  	_ =	swait.ge [sflag:s22], $0x2800  }
0xb3: {  	[sflag:s22] =	ssyncset.done $0x0  }
0xb4: {  	s16 =	simm.s32 $0x5400;
	[sflag:s22] =	ssyncadd.s32 $0xFFFFD800  }
0xb5: {  	[spmem:s1] =	stream.indirect.scatter.add.f32 [tilespmem:s21], [sflag:$0x4], $0x80, s16, s26, $0xb8;
	v63 =	vld [tilespmem:$0x0]  }
0xb6: {  	_ =	swait.ge [sflag:s29], $0x2800  }
0xb7: {  	[sflag:s29] =	ssyncset.done $0x0  }
0xb8: {  	s17 =	simm.s32 $0x3900;
	[sflag:s29] =	ssyncadd.s32 $0xFFFFD800  }
0xb9: {  	[tilespmem:s21], [sflag:$0x1] =	stream.indirect.gather [hbm4b:s4+s26], $0x80, s17, s26, $0xb8;
	v63 =	vld [tilespmem:$0x0]  }
0xba: {  	_ =	swait.ge [sflag:s30], $0x2800  }
0xbb: {  	[sflag:s30] =	ssyncset.done $0x0  }
0xbc: {  	s18 =	simm.s32 $0x5480;
	[sflag:s30] =	ssyncadd.s32 $0xFFFFD800  }
0xbd: {  	[spmem:s1] =	stream.indirect.scatter.add.f32 [tilespmem:s28], [sflag:$0x4], $0x80, s18, s26, $0xb8;
	v63 =	vld [tilespmem:$0x0]  }
0xbe: {  	_ =	swait.ge [sflag:s29], $0x2800  }
0xbf: {  	s14 =	simm.s32 $0x800;
	s13 =	simm.s32 $0x100;
	[sflag:s29] =	ssyncset.done $0x0  }
.LBB2_7:
0xc0: {  	s15 =	sadd.s32 $0x3880, s13  }
0xc1: {  	[sflag:s29] =	ssyncadd.s32 $0xFFFFD800;
	s16 =	smov.u32 s14;
	s17 =	sadd.s32 $0x400, s14  }
0xc2: {  	[tilespmem:s28], [sflag:$0x2] =	stream.indirect.gather [hbm4b:s4+s26], $0x80, s15, s26, $0xb8;
	v63 =	vld [tilespmem:$0x0]  }
0xc3: {  	p1 =	sne.s32 s14, $0x5C00;
	_ =	swait.ge [sflag:s22], $0x2800  }
0xc4: {  	[sflag:s22] =	ssyncset.done $0x0  }
0xc5: {  	s14 =	sadd.s32 $0x5400, s13;
	[sflag:s22] =	ssyncadd.s32 $0xFFFFD800  }
0xc6: {  	[spmem:s1] =	stream.indirect.scatter.add.f32 [tilespmem:s21], [sflag:$0x4], $0x80, s14, s26, $0xb8;
	v63 =	vld [tilespmem:$0x0]  }
0xc7: {  	_ =	swait.ge [sflag:s29], $0x2800  }
0xc8: {  	[sflag:s29] =	ssyncset.done $0x0  }
0xc9: {  	s14 =	sadd.s32 $0x3900, s13;
	[sflag:s29] =	ssyncadd.s32 $0xFFFFD800  }
0xca: {  	[tilespmem:s21], [sflag:$0x1] =	stream.indirect.gather [hbm4b:s4+s26], $0x80, s14, s26, $0xb8;
	v63 =	vld [tilespmem:$0x0]  }
0xcb: {  	_ =	swait.ge [sflag:s30], $0x2800  }
.Ltmp2:
0xcc: {  	[sflag:s30] =	ssyncset.done $0x0;
	(pc) =	sbr.rel @p1 .LBB2_7-.Ltmp2, $4  }
0xcd: {  	s13 =	sadd.s32 $0x5480, s13;
	[sflag:s30] =	ssyncadd.s32 $0xFFFFD800  }
0xce: {  	[spmem:s1] =	stream.indirect.scatter.add.f32 [tilespmem:s28], [sflag:$0x4], $0x80, s13, s26, $0xb8;
	v63 =	vld [tilespmem:$0x0]  }
0xcf: {  	_ =	swait.ge [sflag:s29], $0x2800  }
0xd0: {  	s14 =	smov.u32 s17;
	s13 =	sshra.s32 s16, $0x2;
	[sflag:s29] =	ssyncset.done $0x0  }
0xd1: {  	s14 =	sadd.s32 $0x3880, s13;
	[sflag:s29] =	ssyncadd.s32 $0xFFFFD800  }
0xd2: {  	[tilespmem:s28], [sflag:$0x2] =	stream.indirect.gather [hbm4b:s4+s26], $0x80, s14, s26, $0xb8;
	v63 =	vld [tilespmem:$0x0]  }
0xd3: {  	_ =	swait.ge [sflag:s22], $0x2800  }
0xd4: {  	[sflag:s22] =	ssyncset.done $0x0  }
0xd5: {  	s16 =	sadd.s32 $0x5400, s13;
	[sflag:s22] =	ssyncadd.s32 $0xFFFFD800  }
0xd6: {  	[spmem:s1] =	stream.indirect.scatter.add.f32 [tilespmem:s21], [sflag:$0x4], $0x80, s16, s26, $0xb8;
	v63 =	vld [tilespmem:$0x0]  }
0xd7: {  	_ =	swait.ge [sflag:s29], $0x2800  }
0xd8: {  	[sflag:s29] =	ssyncset.done $0x0  }
0xd9: {  	s17 =	sadd.s32 $0x3900, s13;
	[sflag:s29] =	ssyncadd.s32 $0xFFFFD800  }
0xda: {  	[tilespmem:s21], [sflag:$0x1] =	stream.indirect.gather [hbm4b:s4+s26], $0x80, s17, s26, $0xb8;
	v63 =	vld [tilespmem:$0x0]  }
0xdb: {  	_ =	swait.ge [sflag:s30], $0x2800  }
0xdc: {  	[sflag:s30] =	ssyncset.done $0x0  }
0xdd: {  	s18 =	sadd.s32 $0x5480, s13;
	[sflag:s30] =	ssyncadd.s32 $0xFFFFD800  }
0xde: {  	[spmem:s1] =	stream.indirect.scatter.add.f32 [tilespmem:s28], [sflag:$0x4], $0x80, s18, s26, $0xb8;
	v63 =	vld [tilespmem:$0x0]  }
0xdf: {  	_ =	swait.ge [sflag:s29], $0x2800  }
0xe0: {  	[sflag:s29] =	ssyncset.done $0x0  }
0xe1: {  	[sflag:s29] =	ssyncadd.s32 $0xFFFFD800  }
0xe2: {  	[tilespmem:s28], [sflag:$0x2] =	stream.indirect.gather [hbm4b:s4+s26], $0x80, s9, s26, $0xb8;
	v63 =	vld [tilespmem:$0x0]  }
0xe3: {  	_ =	swait.ge [sflag:s22], $0x2800  }
0xe4: {  	[sflag:s22] =	ssyncset.done $0x0  }
0xe5: {  	[sflag:s22] =	ssyncadd.s32 $0xFFFFD800  }
0xe6: {  	[spmem:s1] =	stream.indirect.scatter.add.f32 [tilespmem:s21], [sflag:$0x4], $0x80, s10, s26, $0xb8;
	v63 =	vld [tilespmem:$0x0]  }
0xe7: {  	_ =	swait.ge [sflag:s29], $0x2800  }
0xe8: {  	[sflag:s29] =	ssyncset.done $0x0  }
0xe9: {  	[sflag:s29] =	ssyncadd.s32 $0xFFFFD800  }
0xea: {  	_ =	swait.ge [sflag:s30], $0x2800  }
0xeb: {  	[sflag:s30] =	ssyncset.done $0x0  }
0xec: {  	[sflag:s30] =	ssyncadd.s32 $0xFFFFD800  }
0xed: {  	[spmem:s1] =	stream.indirect.scatter.add.f32 [tilespmem:s28], [sflag:$0x4], $0x80, s11, s26, $0xb8;
	v63 =	vld [tilespmem:$0x0]  }
0xee: {  	_ =	swait.ge [sflag:s29], $0x2800  }
0xef: {  	[sflag:s29] =	ssyncset.done $0x0  }
0xf0: {  	[sflag:s29] =	ssyncadd.s32 $0xFFFFD800  }
0xf1: {  	_ =	swait.ge [sflag:s23], $0x1900  }
.Ltmp3:
0xf2: {  	[sflag:s23] =	ssyncset.done $0x0;
	(pc) =	sbr.rel @p0 .LBB2_4-.Ltmp3, $4  }
0xf3: {  	[sflag:s23] =	ssyncadd.s32 $0xFFFFE700  }
0xf4: {  	_ =	swait.ge [sflag:s23], $0x1900  }
0xf5: {  	[sflag:s23] =	ssyncset.done $0x0  }
0xf6: {  	s13 =	simm.s32 $0x3800;
	p1 =	por $0x0, $0x0;
	[sflag:s23] =	ssyncadd.s32 $0xFFFFE700  }
0xf7: {  	s12 =	simm.s32 $0x0  }
0xf8: {  	[tilespmem:s21], [sflag:$0x1] =	stream.indirect.gather [hbm4b:s4+s26], $0x80, s12, s26, $0xb8;
	v63 =	vld [tilespmem:$0x0]  }
0xf9: {  	s15 =	simm.s32 $0x80  }
0xfa: {  	[tilespmem:s28], [sflag:$0x2] =	stream.indirect.gather [hbm4b:s4+s26], $0x80, s15, s26, $0xb8;
	v63 =	vld [tilespmem:$0x0]  }
0xfb: {  	_ =	swait.ge [sflag:s22], $0x2800  }
0xfc: {  	[sflag:s22] =	ssyncset.done $0x0  }
0xfd: {  	s16 =	simm.s32 $0x1C00;
	[sflag:s22] =	ssyncadd.s32 $0xFFFFD800  }
0xfe: {  	[spmem:s1] =	stream.indirect.scatter.add.f32 [tilespmem:s21], [sflag:$0x4], $0x80, s16, s26, $0xb8;
	v63 =	vld [tilespmem:$0x0]  }
0xff: {  	_ =	swait.ge [sflag:s29], $0x2800  }
0x100: {  	[sflag:s29] =	ssyncset.done $0x0  }
0x101: {  	s17 =	simm.s32 $0x100;
	[sflag:s29] =	ssyncadd.s32 $0xFFFFD800  }
0x102: {  	[tilespmem:s21], [sflag:$0x1] =	stream.indirect.gather [hbm4b:s4+s26], $0x80, s17, s26, $0xb8;
	v63 =	vld [tilespmem:$0x0]  }
0x103: {  	_ =	swait.ge [sflag:s30], $0x2800  }
0x104: {  	[sflag:s30] =	ssyncset.done $0x0  }
0x105: {  	s18 =	simm.s32 $0x1C80;
	[sflag:s30] =	ssyncadd.s32 $0xFFFFD800  }
0x106: {  	[spmem:s1] =	stream.indirect.scatter.add.f32 [tilespmem:s28], [sflag:$0x4], $0x80, s18, s26, $0xb8;
	v63 =	vld [tilespmem:$0x0]  }
0x107: {  	_ =	swait.ge [sflag:s29], $0x2800  }
0x108: {  	s13 =	simm.s32 $0x800;
	s12 =	simm.s32 $0x100;
	[sflag:s29] =	ssyncset.done $0x0  }
.LBB2_10:
0x109: {  	s14 =	sadd.s32 $0x80, s12  }
0x10a: {  	[sflag:s29] =	ssyncadd.s32 $0xFFFFD800;
	s15 =	smov.u32 s13;
	s16 =	sadd.s32 $0x400, s13  }
0x10b: {  	[tilespmem:s28], [sflag:$0x2] =	stream.indirect.gather [hbm4b:s4+s26], $0x80, s14, s26, $0xb8;
	v63 =	vld [tilespmem:$0x0]  }
0x10c: {  	p0 =	sne.s32 s13, $0x5C00;
	_ =	swait.ge [sflag:s22], $0x2800  }
0x10d: {  	[sflag:s22] =	ssyncset.done $0x0  }
0x10e: {  	s13 =	sadd.s32 $0x1C00, s12;
	[sflag:s22] =	ssyncadd.s32 $0xFFFFD800  }
0x10f: {  	[spmem:s1] =	stream.indirect.scatter.add.f32 [tilespmem:s21], [sflag:$0x4], $0x80, s13, s26, $0xb8;
	v63 =	vld [tilespmem:$0x0]  }
0x110: {  	_ =	swait.ge [sflag:s29], $0x2800  }
0x111: {  	[sflag:s29] =	ssyncset.done $0x0  }
0x112: {  	s13 =	sadd.s32 $0x100, s12;
	[sflag:s29] =	ssyncadd.s32 $0xFFFFD800  }
0x113: {  	[tilespmem:s21], [sflag:$0x1] =	stream.indirect.gather [hbm4b:s4+s26], $0x80, s13, s26, $0xb8;
	v63 =	vld [tilespmem:$0x0]  }
0x114: {  	_ =	swait.ge [sflag:s30], $0x2800  }
.Ltmp4:
0x115: {  	[sflag:s30] =	ssyncset.done $0x0;
	(pc) =	sbr.rel @p0 .LBB2_10-.Ltmp4, $4  }
0x116: {  	s12 =	sadd.s32 $0x1C80, s12;
	[sflag:s30] =	ssyncadd.s32 $0xFFFFD800  }
0x117: {  	[spmem:s1] =	stream.indirect.scatter.add.f32 [tilespmem:s28], [sflag:$0x4], $0x80, s12, s26, $0xb8;
	v63 =	vld [tilespmem:$0x0]  }
0x118: {  	_ =	swait.ge [sflag:s29], $0x2800  }
0x119: {  	s13 =	smov.u32 s16;
	s12 =	sshra.s32 s15, $0x2;
	[sflag:s29] =	ssyncset.done $0x0  }
0x11a: {  	s13 =	sadd.s32 $0x80, s12;
	[sflag:s29] =	ssyncadd.s32 $0xFFFFD800  }
0x11b: {  	[tilespmem:s28], [sflag:$0x2] =	stream.indirect.gather [hbm4b:s4+s26], $0x80, s13, s26, $0xb8;
	v63 =	vld [tilespmem:$0x0]  }
0x11c: {  	_ =	swait.ge [sflag:s22], $0x2800  }
0x11d: {  	[sflag:s22] =	ssyncset.done $0x0  }
0x11e: {  	s14 =	sadd.s32 $0x1C00, s12;
	[sflag:s22] =	ssyncadd.s32 $0xFFFFD800  }
0x11f: {  	[spmem:s1] =	stream.indirect.scatter.add.f32 [tilespmem:s21], [sflag:$0x4], $0x80, s14, s26, $0xb8;
	v63 =	vld [tilespmem:$0x0]  }
0x120: {  	_ =	swait.ge [sflag:s29], $0x2800  }
0x121: {  	[sflag:s29] =	ssyncset.done $0x0  }
0x122: {  	s15 =	sadd.s32 $0x100, s12;
	[sflag:s29] =	ssyncadd.s32 $0xFFFFD800  }
0x123: {  	[tilespmem:s21], [sflag:$0x1] =	stream.indirect.gather [hbm4b:s4+s26], $0x80, s15, s26, $0xb8;
	v63 =	vld [tilespmem:$0x0]  }
0x124: {  	_ =	swait.ge [sflag:s30], $0x2800  }
0x125: {  	[sflag:s30] =	ssyncset.done $0x0  }
0x126: {  	s16 =	sadd.s32 $0x1C80, s12;
	[sflag:s30] =	ssyncadd.s32 $0xFFFFD800  }
0x127: {  	[spmem:s1] =	stream.indirect.scatter.add.f32 [tilespmem:s28], [sflag:$0x4], $0x80, s16, s26, $0xb8;
	v63 =	vld [tilespmem:$0x0]  }
0x128: {  	_ =	swait.ge [sflag:s29], $0x2800  }
0x129: {  	[sflag:s29] =	ssyncset.done $0x0  }
0x12a: {  	[sflag:s29] =	ssyncadd.s32 $0xFFFFD800  }
0x12b: {  	[tilespmem:s28], [sflag:$0x2] =	stream.indirect.gather [hbm4b:s4+s26], $0x80, s31, s26, $0xb8;
	v63 =	vld [tilespmem:$0x0]  }
0x12c: {  	_ =	swait.ge [sflag:s22], $0x2800  }
0x12d: {  	[sflag:s22] =	ssyncset.done $0x0  }
0x12e: {  	[sflag:s22] =	ssyncadd.s32 $0xFFFFD800  }
0x12f: {  	[spmem:s1] =	stream.indirect.scatter.add.f32 [tilespmem:s21], [sflag:$0x4], $0x80, s0, s26, $0xb8;
	v63 =	vld [tilespmem:$0x0]  }
0x130: {  	_ =	swait.ge [sflag:s29], $0x2800  }
0x131: {  	[sflag:s29] =	ssyncset.done $0x0  }
0x132: {  	[sflag:s29] =	ssyncadd.s32 $0xFFFFD800  }
0x133: {  	_ =	swait.ge [sflag:s30], $0x2800  }
0x134: {  	[sflag:s30] =	ssyncset.done $0x0  }
0x135: {  	[sflag:s30] =	ssyncadd.s32 $0xFFFFD800  }
0x136: {  	[spmem:s1] =	stream.indirect.scatter.add.f32 [tilespmem:s28], [sflag:$0x4], $0x80, s2, s26, $0xb8;
	v63 =	vld [tilespmem:$0x0]  }
0x137: {  	_ =	swait.ge [sflag:s29], $0x2800  }
0x138: {  	s17 =	stileid.u32;
	[sflag:s29] =	ssyncset.done $0x0  }
0x139: {  	s18 =	sshrl.u32 s8, $0x3;
	s3 =	sadd.s32 $0x1, s3;
	[sflag:s29] =	ssyncadd.s32 $0xFFFFD800  }
0x13a: {  	s12 =	sshll.u32 s17, $0x6;
	p0 =	sne.s32 s3, s19;
	[bflag:$0x0] =	sbarrier.arrive $0xFFFF  }
.Ltmp5:
0x13b: {  	s12 =	sor.u32 $0x1C04, s12;
	s14 =	rddreg [dreg:$0xc];
	(pc) =	sbr.rel @p0 .LBB2_1-.Ltmp5, $4  }
0x13c: {  	[hbm:s14], [sflag:s12] =	dma.local [spmem:s18], $0x2800  }
0x13d: {  	_ =	swait.ge [sflag:s29], $0x2800  }
0x13e: {  	[sflag:s29] =	ssyncset.done $0x0  }
0x13f: {  	[sflag:s29] =	ssyncadd.s32 $0xFFFFD800  }
0x140: {  	_ =	sfence.sel $0x180000  }
0x141: {  	[bflag:$0x0] =	sbarrier.arrive $0xFFFF  }
0x142: {  	_ =	strace $0x9000004A  }
0x143: {  	s0 =	stileid.u32;
	[bflag:$0x2] =	sbarrier.arrive $0xFFFF  }
0x144: {  	p0 =	sne.s32 s0, $0x0;
	s0 =	rddreg [dreg:$0x2]  }
0x145: {  	s0 =	sadd.s32 @!p0 $0x100000, s0  }
0x146: {  	[sflag:s0] =	ssyncadd.tile.s32 @!p0 $0x1;
	_ =	shalt  }
.Lfunc_end2:
_tile_overlayer_lowered:
.L_overlay_start_2:
0x147: {  	(tag) =	ssettag $0x2  }
0x148: {  	s0 =	rddreg [dreg:$0x0];
	s2 =	stileid.u32  }
0x149: {  	s1 =	rddreg [dreg:$0x1];
	p0 =	sne.s32 s2, $0x0  }
0x14a: {  	s3 =	rddreg [dreg:$0x2];
	[bflag:$0x3] =	sbarrier.arrive $0xFFFF;
	s2 =	simm.s32 @!p0 $0x1C04  }
0x14b: {  	[timem:s3], [sflag:s2] =	dma.local @!p0 [hbm:s0], s1  }
0x14c: {  	s0 =	simm.s32 @!p0 $0x4  }
0x14d: {  	_ =	swait.ge @!p0 [sflag:s0], s1  }
0x14e: {  	s1 =	ssub.s32 @!p0 $0x0, s1;
	[sflag:s0] =	ssyncset.done @!p0 $0x0  }
0x14f: {  	[sflag:s0] =	ssyncadd.s32 @!p0 s1  }
0x150: {  	[bflag:$0x3] =	sbarrier.arrive $0xFFFF  }
0x151: {  	_ =	shalt  }

// kernel: kernel.4.cloned.1.call-start
scs
__scs_entry_jumppad:
0x0: {  	(pc) =	sbr.rel $0x88, $3  }
0x1: {  	(tag) =	ssettag $0x0;
	lr =	simm.s32 $0x1  }
0x2: {  	[smem:$0x3F8E] =	sst lr;
	_ =	strace $0xD0000000  }
0x3: {  	_ = 	snop  }
0x4: {  	_ = 	snop  }
0x5: {  	_ = 	snop  }
0x6: {  	_ = 	snop  }
0x7: {  	_ = 	snop  }
__scs_overlays_trampoline_lowered:
0x8: {  	[smem:$0x3F9D] =	sst s0  }
0x9: {  	[smem:$0x3F9E] =	sst s1  }
0xa: {  	[smem:$0x3F9F] =	sst s2  }
0xb: {  	[smem:$0x3FA0] =	sst s3  }
0xc: {  	[smem:$0x3FA1] =	sst s4  }
0xd: {  	[smem:$0x3FA2] =	sst s5  }
0xe: {  	[smem:$0x3FA3] =	sst s6  }
0xf: {  	[smem:$0x3FA4] =	sst s7  }
0x10: {  	[smem:$0x3FA5] =	sst s8  }
0x11: {  	[smem:$0x3FA6] =	sst s9;
	s0 =	simm.s32 @!p0 $0x0  }
0x12: {  	s1 =	sld [smem:$0x3F8C];
	s0 =	simm.s32 @p0 $0x1  }
0x13: {  	[smem:$0x3FA7] =	sst s0;
	s0 =	simm.s32 @!p1 $0x0  }
0x14: {  	s2 =	sld [smem:$0x3F8B];
	s0 =	simm.s32 @p1 $0x1  }
0x15: {  	[smem:$0x3FA8] =	sst s0;
	s0 =	simm.s32 @!p2 $0x0  }
0x16: {  	s3 =	sld [smem:$0x3FDB];
	s0 =	simm.s32 @p2 $0x1  }
0x17: {  	s4 =	simm.s32 $0x1BF5;
	[smem:$0x3FAA] =	sst s0  }
0x18: {  	s0 =	sld [smem:$0x3F8D];
	_ =	swait.ge [sflag:s4], $0x0  }
0x19: {  	s7 =	sld [smem:$0x3F8E]  }
0x1a: {  	s8 =	sadd.s32 $0xFFFFE003, lr  }
0x1b: {  	s9 =	sadd.s32 $0xFFFFFEF7, lr;
	s5 =	simm.s32 $0xFFFFFFFF;
	p2 =	slt.u32 s8, $0xFFFFF086  }
0x1c: {  	p1 =	slt.u32 s9, $0xF7A;
	s5 =	simm.s32 @!p2 $0x0  }
0x1d: {  	s5 =	simm.s32 @p1 $0x1;
	p0 =	seq.s32 s7, s2  }
0x1e: {  	s7 =	smul.u32 @!p0 $0xF7A, s2;
	p2 =	seq.s32 @!p0 s5, $0x0  }
0x1f: {  	s9 =	smul.u32 $0xF7A, s1;
	s8 =	simm.s32 @!p0 $0x1BF5;
	p2 =	por !p2, p0  }
0x20: {  	[sflag:s8] =	ssyncset.s32 @!p0 $0xFFFFF086;
	s6 =	sadd.s32 @!p0 s3, s7;
	s7 =	simm.s32 @!p0 $0x108  }
0x21: {  	s3 =	sadd.s32 s3, s9;
	s6 =	sadd.s32 @!p0 $0x88, s6;
	s7 =	simm.s32 @p2 $0x1082  }
0x22: {  	[simem:s7], [sflag:s8] =	dma.local @!p0 [hbm:s6], $0xF7A  }
0x23: {  	s9 =	sor.u32 $0xD0000000, s2;
	s6 =	simm.s32 $0x108;
	_ =	swait.ge @!p0 [sflag:s8], $0x0  }
0x24: {  	s3 =	sadd.s32 $0x88, s3;
	s6 =	simm.s32 @!p1 $0x1082;
	[sflag:s4] =	ssyncset.s32 $0xFFFFF086  }
0x25: {  	[simem:s6], [sflag:s4] =	dma.local [hbm:s3], $0xF7A  }
0x26: {  	[smem:$0x3F8E] =	sst s1;
	(tag) =	ssettag s2;
	_ =	strace s9  }
0x27: {  	s1 =	sld [smem:$0x3F9E]  }
0x28: {  	s2 =	sld [smem:$0x3F9F]  }
0x29: {  	s4 =	sld [smem:$0x3FA1]  }
0x2a: {  	p0 =	seq.s32 s5, $0x0;
	s5 =	sld [smem:$0x3FA2]  }
0x2b: {  	s6 =	sld [smem:$0x3FA3]  }
0x2c: {  	s7 =	sld [smem:$0x3FA4]  }
0x2d: {  	s3 =	simm.s32 $0x108;
	s8 =	sld [smem:$0x3FA5]  }
0x2e: {  	s3 =	simm.s32 @!p0 $0x1082;
	s9 =	sld [smem:$0x3FA6]  }
0x2f: {  	lr =	sadd.s32 s0, s3;
	s0 =	sld [smem:$0x3F9D]  }
0x30: {  	s3 =	sld [smem:$0x3FA0]  }
0x31: {  	[smem:$0x3FA9] =	sst s10  }
0x32: {  	s10 =	sld [smem:$0x3FA7];
	_ =	sdelay $0x3  }
0x33: {  	p0 =	seq.s32 s10, $0x1;
	s10 =	sld [smem:$0x3FA9];
	_ =	sdelay $0x3  }
0x34: {  	[smem:$0x3FA9] =	sst s10  }
0x35: {  	s10 =	sld [smem:$0x3FA8];
	_ =	sdelay $0x3  }
0x36: {  	p1 =	seq.s32 s10, $0x1;
	s10 =	sld [smem:$0x3FA9];
	_ =	sdelay $0x3  }
0x37: {  	[smem:$0x3FA9] =	sst s10  }
0x38: {  	s10 =	sld [smem:$0x3FAA]  }
0x39: {  	_ = 	snop;
	(pc) =	sbr.ind lr, $3  }
0x3a: {  	_ = 	snop  }
0x3b: {  	_ = 	snop  }
0x3c: {  	p2 =	seq.s32 s10, $0x1;
	s10 =	sld [smem:$0x3FA9]  }
0x3d: {  	_ =	shalt  }
0x3e: {  	_ =	shalt  }
0x3f: {  	_ =	shalt  }
0x40: {  	_ =	shalt  }
0x41: {  	_ =	shalt  }
0x42: {  	_ =	shalt  }
0x43: {  	_ =	shalt  }
0x44: {  	_ =	shalt  }
0x45: {  	_ =	shalt  }
0x46: {  	_ =	shalt  }
0x47: {  	_ =	shalt  }
0x48: {  	_ =	shalt  }
0x49: {  	_ =	shalt  }
0x4a: {  	_ =	shalt  }
0x4b: {  	_ =	shalt  }
0x4c: {  	_ =	shalt  }
0x4d: {  	_ =	shalt  }
0x4e: {  	_ =	shalt  }
0x4f: {  	_ =	shalt  }
0x50: {  	_ =	shalt  }
0x51: {  	_ =	shalt  }
0x52: {  	_ =	shalt  }
0x53: {  	_ =	shalt  }
0x54: {  	_ =	shalt  }
0x55: {  	_ =	shalt  }
0x56: {  	_ =	shalt  }
0x57: {  	_ =	shalt  }
0x58: {  	_ =	shalt  }
0x59: {  	_ =	shalt  }
0x5a: {  	_ =	shalt  }
0x5b: {  	_ =	shalt  }
0x5c: {  	_ =	shalt  }
0x5d: {  	_ =	shalt  }
0x5e: {  	_ =	shalt  }
0x5f: {  	_ =	shalt  }
0x60: {  	_ =	shalt  }
0x61: {  	_ =	shalt  }
0x62: {  	_ =	shalt  }
0x63: {  	_ =	shalt  }
0x64: {  	_ =	shalt  }
0x65: {  	_ =	shalt  }
0x66: {  	_ =	shalt  }
0x67: {  	_ =	shalt  }
0x68: {  	_ =	shalt  }
0x69: {  	_ =	shalt  }
0x6a: {  	_ =	shalt  }
0x6b: {  	_ =	shalt  }
0x6c: {  	_ =	shalt  }
0x6d: {  	_ =	shalt  }
0x6e: {  	_ =	shalt  }
0x6f: {  	_ =	shalt  }
0x70: {  	_ =	shalt  }
0x71: {  	_ =	shalt  }
0x72: {  	_ =	shalt  }
0x73: {  	_ =	shalt  }
0x74: {  	_ =	shalt  }
0x75: {  	_ =	shalt  }
0x76: {  	_ =	shalt  }
0x77: {  	_ =	shalt  }
0x78: {  	_ =	shalt  }
0x79: {  	_ =	shalt  }
0x7a: {  	_ =	shalt  }
0x7b: {  	_ =	shalt  }
0x7c: {  	_ =	shalt  }
0x7d: {  	_ =	shalt  }
0x7e: {  	_ =	shalt  }
0x7f: {  	_ =	shalt  }
0x80: {  	_ =	shalt  }
0x81: {  	_ =	shalt  }
0x82: {  	_ =	shalt  }
0x83: {  	_ =	shalt  }
0x84: {  	_ =	shalt  }
0x85: {  	_ =	shalt  }
0x86: {  	_ =	shalt  }
0x87: {  	_ =	shalt  }
.Lfunc_end0:
.L_simem_size_0:
called_computation.1_lowered:
.L_overlay_start_0:
0x88: {  	s2 =	sld [smem:$0x3FD9]  }
0x89: {  	s3 =	sld [smem:$0x3FFE];
	_ =	sdelay $0x1  }
0x8a: {  	s1 =	srdreg.scid  }
0x8b: {  	s0 =	sand.u32 $0x1, s1  }
0x8c: {  	s16 =	sshll.u32 s0, $0xA;
	s2 =	sadd.s32 s3, s2  }
0x8d: {  	s2 =	sadd.s32 s2, s16  }
0x8e: {  	[smem:$0x3FB5] =	sst s2  }
0x8f: {  	_ = 	snop  }
0x90: {  	(tm) =	ssettm $0x1  }
0x91: {  	s17 =	sld [smem:$0x3FFB];
	_ =	sdelay $0x3  }
0x92: {  	_ =	strace s17  }
0x93: {  	s2 =	sld [smem:$0x3FFC];
	_ =	sdelay $0x3  }
0x94: {  	_ =	strace s2  }
0x95: {  	s2 =	sld [smem:$0x3FFD];
	_ =	sdelay $0x3  }
0x96: {  	_ =	strace s2  }
0x97: {  	_ =	strace $0x8FFFFFFF  }
0x98: {  	s18 =	sld [smem:$0x3FDB];
	_ =	sdelay $0x1  }
0x99: {  	s19 =	simm.s32 $_scs_section_size  }
0x9a: {  	s4 =	simm.s32 $_size__tile_overlayer_lowered;
	s5 =	simm.s32 $_tile_overlayer_lowered  }
0x9b: {  	s22 =	simm.s32 $0x1BFF;
	s21 =	sshll.u32 s5, $0x1;
	s2 =	sadd.s32 s19, s18  }
0x9c: {  	s6 =	simm.s32 $0x0;
	s20 =	sshll.u32 s4, $0x1;
	s4 =	sadd.s32 s21, s2  }
0x9d: {  	[timem:s6], [sflag:s22] =	dma.local [hbm:s4], s20  }
0x9e: {  	_ =	swait.ge [sflag:s22], s20  }
0x9f: {  	s3 =	ssub.s32 $0x0, s20;
	[sflag:s22] =	ssyncset.done $0x0  }
0xa0: {  	[sflag:s22] =	ssyncadd.s32 s3;
	_ =	sdelay $0x1  }
0xa1: {  	s23 =	simm.s32 $0x1B8B  }
0xa2: {  	_ =	swait.ge [sflag:s23], $0x1  }
0xa3: {  	[sflag:s23] =	ssyncset.done $0x0  }
0xa4: {  	s25 =	simm.s32 $0x1B8E;
	s24 =	sld [smem:$0x3FFE];
	[sflag:s23] =	ssyncadd.s32 $0xFFFFFFFF  }
0xa5: {  	s26 =	simm.s32 $execute0_lowered;
	[smem:$0x3FD2] =	sst s25  }
0xa6: {  	s4 =	sshll.u32 s26, $0x1;
	_ =	strace $0x80000046;
	[dreg:$0x1] =	wrdreg $0xFFFFFFFF  }
0xa7: {  	s28 =	simm.s32 $_size_execute0_lowered;
	s2 =	sadd.s32 s2, s4;
	[dreg:$0x0] =	wrdreg $0x0  }
0xa8: {  	s4 =	sshll.u32 s28, $0x1;
	[dreg:$0x2] =	wrdreg s2  }
0xa9: {  	[dreg:$0x3] =	wrdreg s4  }
0xaa: {  	[dreg:$0x4] =	wrdreg $0xC0  }
0xab: {  	_ =	task [dreg:s6], $0x5FFFF  }
0xac: {  	[dreg:$0x1] =	wrdreg $0xFFFFFFFF  }
0xad: {  	[dreg:$0x0] =	wrdreg $0x60  }
0xae: {  	[dreg:$0x2] =	wrdreg s24  }
0xaf: {  	[dreg:$0x3] =	wrdreg $0x70000  }
0xb0: {  	[dreg:$0x4] =	wrdreg $0x9  }
0xb1: {  	_ =	task.clear_ibuf [dreg:s6], $0x5FFFF;
	_ =	strace $0x90000046  }
0xb2: {  	s29 =	simm.s32 $0x9;
	_ =	strace $0x80000048  }
0xb3: {  	_ =	swait.ge [sflag:s29], $0x1  }
0xb4: {  	[sflag:s29] =	ssyncadd.s32 $0xFFFFFFFF  }
0xb5: {  	_ =	strace $0x90000048  }
0xb6: {  	_ =	sfence  }
0xb7: {  	s30 =	sld [smem:$0x0];
	_ =	sdelay $0x2  }
0xb8: {  	s31 =	sshll.u32 s1, $0xD;
	s1 =	sshrl.u32 s1, $0x2  }
0xb9: {  	s3 =	sand.u32 $0x4000, s31;
	s1 =	sadd.s32 s1, s30  }
0xba: {  	s0 =	sor.u32 s3, s0;
	s1 =	sshll.u32 s1, $0x11  }
0xbb: {  	s0 =	sor.u32 s1, s0  }
0xbc: {  	s0 =	sadd.s32 $0x8F2B, s0  }
0xbd: {  	[sflag:s0] =	ssyncadd.remote.s32 $0x1  }
0xbe: {  	_ =	sfence.sel $0xFFFF  }
0xbf: {  	[dreg:$0x0] =	wrdreg $0xFFFFFFFF;
	(pc) =	sbr.abs _section_cstart, $3  }
0xc0: {  	[dreg:$0x1] =	wrdreg $0xFFFFFFFF  }
0xc1: {  	_ =	task.clear_ibuf [dreg:s6], $0x2FFFF;
	_ =	strace $0x9FFFFFFF  }
0xc2: {  	(tm) =	ssettm $0x7FFFFFFF  }
0xc3: {  	_ =	shalt  }
tec
execute0_lowered:
.L_overlay_start_1:
0x0: {  	(tag) =	ssettag $0x1  }
0x1: {  	s0 =	srdreg.scid;
	s4 =	rddreg [dreg:$0x0]  }
0x2: {  	s6 =	rddreg [dreg:$0x1];
	s2 =	simm.s32 $0x0;
	s12 =	simm.s32 $0x1  }
0x3: {  	s13 =	simm.s32 $0x1C00;
	s14 =	simm.s32 $0x80;
	s15 =	simm.s32 $0x400  }
0x4: {  	s16 =	simm.s32 $0x6C00;
	s3 =	sand.u32 $0x1, s0;
	s0 =	stileid.u32  }
0x5: {  	s17 =	simm.s32 $0x0;
	s1 =	sxor.u32 $0x1, s3;
	s7 =	smul.u32 $0x8C00, s0  }
0x6: {  	[smem:$0x7FF] =	sst s2;
	s29 =	ssub.s32 $0x2, s3;
	s5 =	smul.u32 $0x8C000, s1  }
0x7: {  	s30 =	sshrl.u32 s0, $0x3;
	s8 =	sshll.u32 s0, $0x7;
	s31 =	smul.u32 $0x5000, s0  }
0x8: {  	s3 =	sshll.u32 s3, $0xB;
	s1 =	rddreg [dreg:$0x2];
	s5 =	sadd.s32 s7, s5  }
0x9: {  	s9 =	sshrl.u32 s29, $0x1;
	s7 =	smul.u32 $0x50000, s30;
	s5 =	sshrl.u32 s5, $0x3  }
0xa: {  	_ =	strace $0x80000047;
	s9 =	ssub.s32 s29, s9;
	s11 =	sadd.s32 s5, s4  }
0xb: {  	s4 =	sadd.s32 s8, s4;
	s8 =	sand.u32 $0x380, s8;
	s7 =	sshrl.u32 s7, $0x2  }
0xc: {  	s5 =	sshrl.u32 s31, $0x2;
	s7 =	sadd.s32 s7, s6;
	s10 =	sadd.s32 s3, s4  }
0xd: {  	s4 =	sadd.s32 s5, s6;
	s6 =	smax.u32 s9, $0x1;
	s9 =	sadd.s32 $0x4D00, s11  }
0xe: {  	s3 =	sadd.s32 s8, s7;
	s5 =	sadd.s32 $0x27600, s10;
	s7 =	sadd.s32 $0x4600, s11  }
0xf: {  	v0 =	vimm.f32 $0.0e+00;
	v1 =	vimm.f32 $1.000000000e+00;
	s8 =	sadd.s32 $0x4980, s11;
	s10 =	sadd.s32 $0x5080, s11;
	s11 =	sadd.s32 $0x5400, s11  }
.LBB2_1:
0x10: {  	s18 =	simm.s32 $0x40;
	s19 =	simm.s32 $0x0  }
.LBB2_2:
0x11: {  	p0 =	sne.s32 s18, $0x9FC0;
	[tilespmem:s19+$0x1C00] =	vst v0;
	s19 =	smov.u32 s18;
	s18 =	sadd.s32 $0x40, s18  }
.Ltmp0:
0x12: {  	(pc) =	sbr.rel @p0 .LBB2_2-.Ltmp0, $2  }
0x13: {  	_ =	sdelay $0x2  }
0x14: {  	s19 =	sshra.s32 s19, $0x2  }
0x15: {  	[tilespmem:s19+$0x1C00] =	vst v0  }
0x16: {  	[tilespmem:s2], [sflag:$0x1] =	stream.linear.gather [hbm4b:s7+s2], $0x1900, $0x38;
	[tilespmem:$0x9800] =	vst v63  }
0x17: {  	_ =	swait.ge [sflag:s12], $0x1900  }
0x18: {  	[sflag:s12] =	ssyncset.done $0x0  }
0x19: {  	s18 =	simm.s32 $0x100;
	[sflag:s12] =	ssyncadd.s32 $0xFFFFE700  }
.LBB2_4:
0x1a: {  	s19 =	sshra.s32 s18, $0x2  }
0x1b: {  	v2 =	vld [tilespmem:s19+$0xFFFFFFC0];
	_ =	sdelay $0x7  }
0x1c: {  	[tilespmem:v2+s13+$0x0] =	vst.idx.add.f32.msk $0xffff, v1  }
0x1d: {  	v2 =	vld [tilespmem:s19+$0xFFFFFFD0];
	_ =	sdelay $0x7  }
0x1e: {  	[tilespmem:v2+s13+$0x0] =	vst.idx.add.f32.msk $0xffff, v1  }
0x1f: {  	v2 =	vld [tilespmem:s19+$0xFFFFFFE0];
	_ =	sdelay $0x7  }
0x20: {  	[tilespmem:v2+s13+$0x0] =	vst.idx.add.f32.msk $0xffff, v1  }
0x21: {  	v2 =	vld [tilespmem:s19+$0xFFFFFFF0];
	_ =	sdelay $0x7  }
0x22: {  	[tilespmem:v2+s13+$0x0] =	vst.idx.add.f32.msk $0xffff, v1  }
0x23: {  	v2 =	vld [tilespmem:s19+$0x0];
	_ =	sdelay $0x2  }
0x24: {  	p0 =	sne.s32 s18, $0x6300  }
.Ltmp1:
0x25: {  	_ = 	snop;
	(pc) =	sbr.rel @p0 .LBB2_4-.Ltmp1, $2  }
0x26: {  	_ =	sdelay $0x2  }
0x27: {  	s18 =	sadd.s32 $0x200, s18;
	[tilespmem:v2+s13+$0x0] =	vst.idx.add.f32.msk $0xffff, v1  }
0x28: {  	s18 =	simm.s32 $0x0  }
0x29: {  	[tilespmem:s18], [sflag:$0x1] =	stream.linear.gather [hbm4b:s8+s18], $0x1900, $0x38;
	[tilespmem:$0x9800] =	vst v63  }
0x2a: {  	_ =	swait.ge [sflag:s12], $0x1900  }
0x2b: {  	[sflag:s12] =	ssyncset.done $0x0  }
0x2c: {  	[sflag:s12] =	ssyncadd.s32 $0xFFFFE700  }
.LBB2_6:
0x2d: {  	s19 =	sshra.s32 s18, $0x2  }
0x2e: {  	v2 =	vld [tilespmem:s19+$0x0];
	_ =	sdelay $0x7  }
0x2f: {  	[tilespmem:v2+s13+$0x0] =	vst.idx.add.f32.msk $0xffff, v1  }
0x30: {  	v2 =	vld [tilespmem:s19+$0x10];
	_ =	sdelay $0x7  }
0x31: {  	[tilespmem:v2+s13+$0x0] =	vst.idx.add.f32.msk $0xffff, v1  }
0x32: {  	v2 =	vld [tilespmem:s19+$0x20];
	_ =	sdelay $0x7  }
0x33: {  	[tilespmem:v2+s13+$0x0] =	vst.idx.add.f32.msk $0xffff, v1  }
0x34: {  	v2 =	vld [tilespmem:s19+$0x30];
	_ =	sdelay $0x7  }
0x35: {  	[tilespmem:v2+s13+$0x0] =	vst.idx.add.f32.msk $0xffff, v1  }
0x36: {  	v2 =	vld [tilespmem:s19+$0x40];
	_ =	sdelay $0x2  }
0x37: {  	p0 =	sne.s32 s18, $0x6200  }
.Ltmp2:
0x38: {  	_ = 	snop;
	(pc) =	sbr.rel @p0 .LBB2_6-.Ltmp2, $2  }
0x39: {  	_ =	sdelay $0x2  }
0x3a: {  	s18 =	sadd.s32 $0x200, s18;
	[tilespmem:v2+s13+$0x0] =	vst.idx.add.f32.msk $0xffff, v1  }
0x3b: {  	s18 =	simm.s32 $0x0  }
0x3c: {  	[tilespmem:s18], [sflag:$0x1] =	stream.linear.gather [hbm4b:s9+s18], $0x1900, $0x38;
	[tilespmem:$0x9800] =	vst v63  }
0x3d: {  	_ =	swait.ge [sflag:s12], $0x1900  }
0x3e: {  	[sflag:s12] =	ssyncset.done $0x0  }
0x3f: {  	[sflag:s12] =	ssyncadd.s32 $0xFFFFE700  }
.LBB2_8:
0x40: {  	s19 =	sshra.s32 s18, $0x2  }
0x41: {  	v2 =	vld [tilespmem:s19+$0x0];
	_ =	sdelay $0x7  }
0x42: {  	[tilespmem:v2+s13+$0x0] =	vst.idx.add.f32.msk $0xffff, v1  }
0x43: {  	v2 =	vld [tilespmem:s19+$0x10];
	_ =	sdelay $0x7  }
0x44: {  	[tilespmem:v2+s13+$0x0] =	vst.idx.add.f32.msk $0xffff, v1  }
0x45: {  	v2 =	vld [tilespmem:s19+$0x20];
	_ =	sdelay $0x7  }
0x46: {  	[tilespmem:v2+s13+$0x0] =	vst.idx.add.f32.msk $0xffff, v1  }
0x47: {  	v2 =	vld [tilespmem:s19+$0x30];
	_ =	sdelay $0x7  }
0x48: {  	[tilespmem:v2+s13+$0x0] =	vst.idx.add.f32.msk $0xffff, v1  }
0x49: {  	v2 =	vld [tilespmem:s19+$0x40];
	_ =	sdelay $0x2  }
0x4a: {  	p0 =	sne.s32 s18, $0x6200  }
.Ltmp3:
0x4b: {  	_ = 	snop;
	(pc) =	sbr.rel @p0 .LBB2_8-.Ltmp3, $2  }
0x4c: {  	_ =	sdelay $0x2  }
0x4d: {  	s18 =	sadd.s32 $0x200, s18;
	[tilespmem:v2+s13+$0x0] =	vst.idx.add.f32.msk $0xffff, v1  }
0x4e: {  	s18 =	simm.s32 $0x0  }
0x4f: {  	[tilespmem:s18], [sflag:$0x1] =	stream.linear.gather [hbm4b:s10+s18], $0x1900, $0x38;
	[tilespmem:$0x9800] =	vst v63  }
0x50: {  	_ =	swait.ge [sflag:s12], $0x1900  }
0x51: {  	[sflag:s12] =	ssyncset.done $0x0  }
0x52: {  	[sflag:s12] =	ssyncadd.s32 $0xFFFFE700  }
.LBB2_10:
0x53: {  	s19 =	sshra.s32 s18, $0x2  }
0x54: {  	v2 =	vld [tilespmem:s19+$0x0];
	_ =	sdelay $0x7  }
0x55: {  	[tilespmem:v2+s13+$0x0] =	vst.idx.add.f32.msk $0xffff, v1  }
0x56: {  	v2 =	vld [tilespmem:s19+$0x10];
	_ =	sdelay $0x7  }
0x57: {  	[tilespmem:v2+s13+$0x0] =	vst.idx.add.f32.msk $0xffff, v1  }
0x58: {  	v2 =	vld [tilespmem:s19+$0x20];
	_ =	sdelay $0x7  }
0x59: {  	[tilespmem:v2+s13+$0x0] =	vst.idx.add.f32.msk $0xffff, v1  }
0x5a: {  	v2 =	vld [tilespmem:s19+$0x30];
	_ =	sdelay $0x7  }
0x5b: {  	[tilespmem:v2+s13+$0x0] =	vst.idx.add.f32.msk $0xffff, v1  }
0x5c: {  	v2 =	vld [tilespmem:s19+$0x40];
	_ =	sdelay $0x2  }
0x5d: {  	p0 =	sne.s32 s18, $0x6200  }
.Ltmp4:
0x5e: {  	_ = 	snop;
	(pc) =	sbr.rel @p0 .LBB2_10-.Ltmp4, $2  }
0x5f: {  	_ =	sdelay $0x2  }
0x60: {  	s18 =	sadd.s32 $0x200, s18;
	[tilespmem:v2+s13+$0x0] =	vst.idx.add.f32.msk $0xffff, v1  }
0x61: {  	s18 =	simm.s32 $0x0  }
0x62: {  	[tilespmem:s18], [sflag:$0x1] =	stream.linear.gather [hbm4b:s11+s18], $0x1900, $0x38;
	[tilespmem:$0x9800] =	vst v63  }
0x63: {  	_ =	swait.ge [sflag:s12], $0x1900  }
0x64: {  	[sflag:s12] =	ssyncset.done $0x0  }
0x65: {  	[sflag:s12] =	ssyncadd.s32 $0xFFFFE700  }
.LBB2_12:
0x66: {  	s19 =	sshra.s32 s18, $0x2  }
0x67: {  	v2 =	vld [tilespmem:s19+$0x0];
	_ =	sdelay $0x7  }
0x68: {  	[tilespmem:v2+s13+$0x0] =	vst.idx.add.f32.msk $0xffff, v1  }
0x69: {  	v2 =	vld [tilespmem:s19+$0x10];
	_ =	sdelay $0x7  }
0x6a: {  	[tilespmem:v2+s13+$0x0] =	vst.idx.add.f32.msk $0xffff, v1  }
0x6b: {  	v2 =	vld [tilespmem:s19+$0x20];
	_ =	sdelay $0x7  }
0x6c: {  	[tilespmem:v2+s13+$0x0] =	vst.idx.add.f32.msk $0xffff, v1  }
0x6d: {  	v2 =	vld [tilespmem:s19+$0x30];
	_ =	sdelay $0x7  }
0x6e: {  	[tilespmem:v2+s13+$0x0] =	vst.idx.add.f32.msk $0xffff, v1  }
0x6f: {  	v2 =	vld [tilespmem:s19+$0x40];
	_ =	sdelay $0x2  }
0x70: {  	p0 =	sne.s32 s18, $0x6200  }
.Ltmp5:
0x71: {  	_ = 	snop;
	(pc) =	sbr.rel @p0 .LBB2_12-.Ltmp5, $2  }
0x72: {  	_ =	sdelay $0x2  }
0x73: {  	s18 =	sadd.s32 $0x200, s18;
	[tilespmem:v2+s13+$0x0] =	vst.idx.add.f32.msk $0xffff, v1  }
0x74: {  	[spmem:s3] =	stream.strided.scatter [tilespmem:s13], [sflag:$0x1], $0x2800, s15, s14, $0x38;
	[tilespmem:$0x9800] =	vst v63  }
0x75: {  	s18 =	simm.s32 $0x0  }
0x76: {  	s19 =	smul.u32 $0x5000, s18  }
0x77: {  	_ =	swait.ge [sflag:s12], $0x2800;
	s20 =	smul.u32 $0x50000, s18  }
0x78: {  	s18 =	simm.s32 $0x0;
	[sflag:s12] =	ssyncset.done $0x0  }
0x79: {  	s21 =	sand.u32 $0x380, s18;
	s19 =	sshra.s32 s19, $0x2;
	s20 =	sshra.s32 s20, $0x2  }
0x7a: {  	[sflag:s12] =	ssyncadd.s32 $0xFFFFD800;
	s19 =	sor.u32 s21, s19;
	s20 =	sadd.s32 s20, s4  }
0x7b: {  	[bflag:$0x0] =	sbarrier.arrive $0xFFFF;
	s22 =	sadd.s32 $0x4400, s19;
	s20 =	sadd.s32 s21, s20  }
0x7c: {  	[tilespmem:s22], [sflag:$0x1] =	stream.linear.gather [spmem:s20], $0x80, $0x38;
	[tilespmem:$0x9800] =	vst v63  }
0x7d: {  	s25 =	sadd.s32 $0x4800, s19;
	s26 =	sadd.s32 $0x400, s20  }
0x7e: {  	[tilespmem:s25], [sflag:$0x1] =	stream.linear.gather [spmem:s26], $0x80, $0x38;
	[tilespmem:$0x9800] =	vst v63  }
0x7f: {  	s29 =	sadd.s32 $0x4C00, s19;
	s28 =	sadd.s32 $0x800, s20  }
0x80: {  	[tilespmem:s29], [sflag:$0x1] =	stream.linear.gather [spmem:s28], $0x80, $0x38;
	[tilespmem:$0x9800] =	vst v63  }
0x81: {  	s31 =	sadd.s32 $0x5000, s19;
	s19 =	sadd.s32 $0x5400, s19;
	s30 =	sadd.s32 $0xC00, s20  }
0x82: {  	[tilespmem:s31], [sflag:$0x1] =	stream.linear.gather [spmem:s30], $0x80, $0x38;
	[tilespmem:$0x9800] =	vst v63  }
0x83: {  	s21 =	simm.s32 $0x2;
	s20 =	sadd.s32 $0x1000, s20;
	s22 =	simm.s32 $0x0  }
0x84: {  	[tilespmem:s19], [sflag:$0x1] =	stream.linear.gather [spmem:s20], $0x80, $0x38;
	[tilespmem:$0x9800] =	vst v63  }
0x85: {  	s20 =	smul.u32 $0x5000, s22;
	s19 =	simm.s32 $0x80;
	_ =	swait.ge [sflag:s12], $0x280  }
.LBB2_14:
0x86: {  	s22 =	smul.u32 $0x50000, s22  }
0x87: {  	[sflag:s12] =	ssyncset.done $0x0;
	s23 =	smov.u32 s21;
	s24 =	sadd.s32 $0x1, s21  }
0x88: {  	s25 =	sand.u32 $0x380, s19;
	s20 =	sshra.s32 s20, $0x2;
	[sflag:s12] =	ssyncadd.s32 $0xFFFFFD80  }
0x89: {  	p0 =	sne.s32 s21, $0xF;
	s20 =	sor.u32 s25, s20;
	s21 =	sshra.s32 s22, $0x2  }
0x8a: {  	s22 =	sadd.s32 $0x4400, s20;
	s21 =	sadd.s32 s21, s4  }
0x8b: {  	s21 =	sadd.s32 s25, s21;
	s25 =	sadd.s32 $0x4800, s20  }
0x8c: {  	[tilespmem:s22], [sflag:$0x1] =	stream.linear.gather [spmem:s21], $0x80, $0x38;
	[tilespmem:$0x9800] =	vst v63  }
0x8d: {  	s28 =	sadd.s32 $0x4C00, s20;
	s22 =	sadd.s32 $0x400, s21;
	s26 =	sadd.s32 $0x800, s21  }
0x8e: {  	[tilespmem:s25], [sflag:$0x1] =	stream.linear.gather [spmem:s22], $0x80, $0x38;
	[tilespmem:$0x9800] =	vst v63  }
0x8f: {  	s22 =	sadd.s32 $0xC00, s21;
	s25 =	sadd.s32 $0x5000, s20  }
0x90: {  	[tilespmem:s28], [sflag:$0x1] =	stream.linear.gather [spmem:s26], $0x80, $0x38;
	[tilespmem:$0x9800] =	vst v63  }
.Ltmp6:
0x91: {  	s21 =	sadd.s32 $0x1000, s21;
	s20 =	sadd.s32 $0x5400, s20;
	(pc) =	sbr.rel @p0 .LBB2_14-.Ltmp6, $4  }
0x92: {  	[tilespmem:s25], [sflag:$0x1] =	stream.linear.gather [spmem:s22], $0x80, $0x38;
	[tilespmem:$0x9800] =	vst v63  }
0x93: {  	s19 =	sadd.s32 $0x80, s19;
	s22 =	sshrl.u32 s23, $0x3  }
0x94: {  	[tilespmem:s20], [sflag:$0x1] =	stream.linear.gather [spmem:s21], $0x80, $0x38;
	[tilespmem:$0x9800] =	vst v63  }
0x95: {  	s20 =	smul.u32 $0x5000, s22;
	s21 =	smov.u32 s24;
	_ =	swait.ge [sflag:s12], $0x280  }
0x96: {  	s21 =	smul.u32 $0x50000, s22;
	_ =	sdelay $0x1  }
0x97: {  	s19 =	sand.u32 $0x380, s19;
	s20 =	sshra.s32 s20, $0x2;
	s21 =	sshra.s32 s21, $0x2  }
0x98: {  	[sflag:s12] =	ssyncset.done $0x0;
	s20 =	sor.u32 s19, s20;
	s21 =	sadd.s32 s21, s4  }
0x99: {  	[sflag:s12] =	ssyncadd.s32 $0xFFFFFD80;
	s23 =	sadd.s32 $0x4400, s20;
	s19 =	sadd.s32 s19, s21  }
0x9a: {  	[tilespmem:s23], [sflag:$0x1] =	stream.linear.gather [spmem:s19], $0x80, $0x38;
	[tilespmem:$0x9800] =	vst v63  }
0x9b: {  	s24 =	sadd.s32 $0x4800, s20;
	s25 =	sadd.s32 $0x400, s19  }
0x9c: {  	[tilespmem:s24], [sflag:$0x1] =	stream.linear.gather [spmem:s25], $0x80, $0x38;
	[tilespmem:$0x9800] =	vst v63  }
0x9d: {  	s28 =	sadd.s32 $0x4C00, s20;
	s26 =	sadd.s32 $0x800, s19  }
0x9e: {  	[tilespmem:s28], [sflag:$0x1] =	stream.linear.gather [spmem:s26], $0x80, $0x38;
	[tilespmem:$0x9800] =	vst v63  }
0x9f: {  	s30 =	sadd.s32 $0x5000, s20;
	s29 =	sadd.s32 $0xC00, s19  }
0xa0: {  	[tilespmem:s30], [sflag:$0x1] =	stream.linear.gather [spmem:s29], $0x80, $0x38;
	[tilespmem:$0x9800] =	vst v63  }
0xa1: {  	s20 =	sadd.s32 $0x5400, s20;
	s19 =	sadd.s32 $0x1000, s19  }
0xa2: {  	[tilespmem:s20], [sflag:$0x1] =	stream.linear.gather [spmem:s19], $0x80, $0x38;
	[tilespmem:$0x9800] =	vst v63  }
0xa3: {  	s31 =	sand.u32 $0x1C00, s18;
	s22 =	simm.s32 $0x0;
	_ =	swait.ge [sflag:s12], $0x280  }
0xa4: {  	s21 =	simm.s32 $0x40;
	s19 =	sand.u32 $0x70, s18;
	[sflag:s12] =	ssyncset.done $0x0  }
0xa5: {  	s23 =	simm.s32 $0x0;
	s20 =	sor.u32 s19, s31;
	[sflag:s12] =	ssyncadd.s32 $0xFFFFFD80  }
.LBB2_16:
0xa6: {  	p0 =	sne.s32 s21, $0x9C0;
	v2 =	vld [tilespmem:s20+$0x4480]  }
0xa7: {  	v3 =	vld [tilespmem:s20+$0x4400];
	_ =	sdelay $0x1  }
0xa8: {  	v4 =	vld [tilespmem:s20+$0x4500];
	_ =	sdelay $0x1  }
0xa9: {  	v5 =	vld [tilespmem:s20+$0x4580]  }
0xaa: {  	v2 =	vadd.f32 v2, v3  }
0xab: {  	v3 =	vld [tilespmem:s20+$0x4600]  }
0xac: {  	v2 =	vadd.f32 v4, v2  }
0xad: {  	v4 =	vld [tilespmem:s20+$0x4680]  }
0xae: {  	v2 =	vadd.f32 v5, v2  }
0xaf: {  	v5 =	vld [tilespmem:s20+$0x4700]  }
0xb0: {  	v2 =	vadd.f32 v3, v2  }
0xb1: {  	v3 =	vld [tilespmem:s20+$0x4780]  }
0xb2: {  	v2 =	vadd.f32 v4, v2  }
0xb3: {  	v4 =	vld [tilespmem:s20+$0x5800]  }
0xb4: {  	v2 =	vadd.f32 v5, v2  }
0xb5: {  	v5 =	vld [tilespmem:s20+$0x5880]  }
0xb6: {  	v2 =	vadd.f32 v3, v2  }
0xb7: {  	v3 =	vld [tilespmem:s20+$0x5900]  }
0xb8: {  	v2 =	vadd.f32 v4, v2  }
0xb9: {  	v4 =	vld [tilespmem:s20+$0x5980]  }
0xba: {  	v2 =	vadd.f32 v5, v2  }
0xbb: {  	v5 =	vld [tilespmem:s20+$0x5A00]  }
0xbc: {  	v2 =	vadd.f32 v3, v2  }
0xbd: {  	v3 =	vld [tilespmem:s20+$0x5A80]  }
0xbe: {  	v2 =	vadd.f32 v4, v2  }
0xbf: {  	v4 =	vld [tilespmem:s20+$0x5B00]  }
0xc0: {  	v2 =	vadd.f32 v5, v2  }
0xc1: {  	v5 =	vld [tilespmem:s20+$0x5B80]  }
0xc2: {  	v2 =	vadd.f32 v3, v2;
	_ =	sdelay $0x1  }
.Ltmp7:
0xc3: {  	v2 =	vadd.f32 v4, v2;
	(pc) =	sbr.rel @p0 .LBB2_16-.Ltmp7, $4  }
0xc4: {  	s20 =	sand.u32 $0xE00, s18;
	s18 =	smov.u32 s21  }
0xc5: {  	s22 =	sadd.s32 $0x80, s22;
	s23 =	sadd.s32 $0x10, s23;
	s20 =	sshrl.u32 s20, $0x2;
	v2 =	vadd.f32 v5, v2  }
0xc6: {  	s24 =	sand.u32 $0x1C00, s22;
	s25 =	sor.u32 s19, s20;
	s19 =	sand.u32 $0x70, s23  }
0xc7: {  	s21 =	sadd.s32 $0x40, s21;
	s20 =	sor.u32 s19, s24;
	[tilespmem:s25+$0x6C00] =	vst v2  }
0xc8: {  	v2 =	vld [tilespmem:s20+$0x4480]  }
0xc9: {  	v3 =	vld [tilespmem:s20+$0x4400];
	_ =	sdelay $0x1  }
0xca: {  	v4 =	vld [tilespmem:s20+$0x4500];
	_ =	sdelay $0x1  }
0xcb: {  	v5 =	vld [tilespmem:s20+$0x4580]  }
0xcc: {  	v2 =	vadd.f32 v2, v3  }
0xcd: {  	v3 =	vld [tilespmem:s20+$0x4600]  }
0xce: {  	v2 =	vadd.f32 v4, v2  }
0xcf: {  	v56 =	vld [tilespmem:s20+$0x4680]  }
0xd0: {  	v2 =	vadd.f32 v5, v2  }
0xd1: {  	v57 =	vld [tilespmem:s20+$0x4700]  }
0xd2: {  	v2 =	vadd.f32 v3, v2  }
0xd3: {  	v3 =	vld [tilespmem:s20+$0x4780]  }
0xd4: {  	v2 =	vadd.f32 v56, v2  }
0xd5: {  	v58 =	vld [tilespmem:s20+$0x5800]  }
0xd6: {  	v2 =	vadd.f32 v57, v2  }
0xd7: {  	v59 =	vld [tilespmem:s20+$0x5880]  }
0xd8: {  	v2 =	vadd.f32 v3, v2  }
0xd9: {  	v3 =	vld [tilespmem:s20+$0x5900]  }
0xda: {  	v2 =	vadd.f32 v58, v2  }
0xdb: {  	v60 =	vld [tilespmem:s20+$0x5980]  }
0xdc: {  	v2 =	vadd.f32 v59, v2  }
0xdd: {  	v61 =	vld [tilespmem:s20+$0x5A00]  }
0xde: {  	v2 =	vadd.f32 v3, v2  }
0xdf: {  	v3 =	vld [tilespmem:s20+$0x5A80]  }
0xe0: {  	v2 =	vadd.f32 v60, v2  }
0xe1: {  	v62 =	vld [tilespmem:s20+$0x5B00]  }
0xe2: {  	v2 =	vadd.f32 v61, v2  }
0xe3: {  	v63 =	vld [tilespmem:s20+$0x5B80]  }
0xe4: {  	v2 =	vadd.f32 v3, v2;
	_ =	sdelay $0x1  }
0xe5: {  	v2 =	vadd.f32 v62, v2  }
0xe6: {  	s18 =	sand.u32 $0xE00, s18  }
0xe7: {  	s17 =	sadd.s32 $0x1, s17;
	s18 =	sshrl.u32 s18, $0x2;
	v2 =	vadd.f32 v63, v2  }
0xe8: {  	p0 =	sne.s32 s17, s6;
	s18 =	sor.u32 s19, s18  }
.Ltmp8:
0xe9: {  	[tilespmem:s18+$0x6C00] =	vst v2;
	(pc) =	sbr.rel @p0 .LBB2_1-.Ltmp8, $4  }
0xea: {  	[hbm4b:s5+s2] =	stream.linear.scatter [tilespmem:s16], [sflag:$0x1], $0x280, $0x38;
	[tilespmem:$0x9800] =	vst v63  }
0xeb: {  	_ =	swait.ge [sflag:s12], $0x280  }
0xec: {  	[sflag:s12] =	ssyncset.done $0x0  }
0xed: {  	[sflag:s12] =	ssyncadd.s32 $0xFFFFFD80  }
0xee: {  	_ =	sfence.sel $0x180000  }
0xef: {  	[bflag:$0x0] =	sbarrier.arrive $0xFFFF  }
0xf0: {  	p0 =	sne.s32 s0, $0x0;
	_ =	strace $0x90000047  }
0xf1: {  	s0 =	sadd.s32 @!p0 $0x100000, s1;
	[bflag:$0x2] =	sbarrier.arrive $0xFFFF  }
0xf2: {  	[sflag:s0] =	ssyncadd.tile.s32 @!p0 $0x1;
	_ =	shalt  }
.Lfunc_end2:
_tile_overlayer_lowered:
.L_overlay_start_2:
0xf3: {  	(tag) =	ssettag $0x2  }
0xf4: {  	s0 =	rddreg [dreg:$0x0];
	s2 =	stileid.u32  }
0xf5: {  	s1 =	rddreg [dreg:$0x1];
	p0 =	sne.s32 s2, $0x0  }
0xf6: {  	s3 =	rddreg [dreg:$0x2];
	[bflag:$0x3] =	sbarrier.arrive $0xFFFF;
	s2 =	simm.s32 @!p0 $0x1C01  }
0xf7: {  	[timem:s3], [sflag:s2] =	dma.local @!p0 [hbm:s0], s1  }
0xf8: {  	s0 =	simm.s32 @!p0 $0x1  }
0xf9: {  	_ =	swait.ge @!p0 [sflag:s0], s1  }
0xfa: {  	s1 =	ssub.s32 @!p0 $0x0, s1;
	[sflag:s0] =	ssyncset.done @!p0 $0x0  }
0xfb: {  	[sflag:s0] =	ssyncadd.s32 @!p0 s1  }
0xfc: {  	[bflag:$0x3] =	sbarrier.arrive $0xFFFF  }
0xfd: {  	_ =	shalt  }

</sc_bundles>
